<compile_context>
chip_gen: v7x
topology: tpu7x:2x2x1
jax: 0.10.2.dev20260603
libtpu: 0.0.44.dev20260713+nightly
codegen_flags: <defaults>
</compile_context>

<pallas_src>
import functools

import jax
import jax.numpy as jnp
from jax import lax
from jax.experimental import pallas as pl
from jax.experimental.pallas import tpu as pltpu
from jax.experimental.pallas import tpu_sc as plsc

_POOL = 10
_LEN = 20
_D = 768
_B = 512
_ROW = 2 * _LEN * _D

_NC = 2
_NS = 16
_NW = _NC * _NS
_BPW = _B // _NW
_NCHUNK = 12
_DC = _ROW // _NCHUNK
_NBUF = 3


def _table_body(prompt_ref, wk1_ref, bk1_ref, wk2_ref, bk2_ref,
                wv1_ref, bv1_ref, wv2_ref, bv2_ref, out_ref):
    p0 = prompt_ref[:, 0, 0].reshape(_POOL * _LEN, _D)
    h0 = jnp.maximum(
        jnp.dot(p0, wk1_ref[...], preferred_element_type=jnp.float32)
        + bk1_ref[...], 0.0)
    t0 = p0 + jnp.dot(h0, wk2_ref[...], preferred_element_type=jnp.float32) \
        + bk2_ref[...]
    out_ref[:, 0:_LEN, :] = t0.reshape(_POOL, _LEN, _D)
    p1 = prompt_ref[:, 1, 0].reshape(_POOL * _LEN, _D)
    h1 = jnp.maximum(
        jnp.dot(p1, wv1_ref[...], preferred_element_type=jnp.float32)
        + bv1_ref[...], 0.0)
    t1 = p1 + jnp.dot(h1, wv2_ref[...], preferred_element_type=jnp.float32) \
        + bv2_ref[...]
    out_ref[:, _LEN:2 * _LEN, :] = t1.reshape(_POOL, _LEN, _D)


def _build_table(prompt, Wk1, bk1, Wk2, bk2, Wv1, bv1, Wv2, bv2):
    return pl.pallas_call(
        _table_body,
        out_shape=jax.ShapeDtypeStruct((_POOL, 2 * _LEN, _D), jnp.float32),
    )(prompt, Wk1, bk1, Wk2, bk2, Wv1, bv1, Wv2, bv2)


def _gather_body(table_ref, idx_ref, out_ref, idx_v, sidx, bufs,
                 gsems, wsems):
    wid = lax.axis_index("s") * _NC + lax.axis_index("c")
    base = wid * _BPW
    pltpu.sync_copy(idx_ref.at[pl.ds(base, _BPW)], idx_v)
    idx = idx_v[...]
    for c in range(_NCHUNK):
        sidx[c][...] = idx * _NCHUNK + c
    gd = [None] * _NBUF
    wd = [None] * _NBUF

    def dst(c):
        return out_ref.at[pl.ds(base, _BPW), pl.ds(c * _DC, _DC)]

    for c in range(_NCHUNK):
        s = c % _NBUF
        if wd[s] is not None:
            wd[s].wait()
        gd[s] = pltpu.async_copy(table_ref.at[sidx[c]], bufs[s], gsems[s])
        if c >= 1:
            p = (c - 1) % _NBUF
            gd[p].wait()
            wd[p] = pltpu.async_copy(bufs[p], dst(c - 1), wsems[p])
    sl = (_NCHUNK - 1) % _NBUF
    gd[sl].wait()
    wd[sl] = pltpu.async_copy(bufs[sl], dst(_NCHUNK - 1), wsems[sl])
    for w in wd:
        if w is not None:
            w.wait()


def _gather(table2, idx):
    mesh = plsc.VectorSubcoreMesh(
        core_axis_name="c", subcore_axis_name="s",
        num_cores=_NC, num_subcores=_NS)
    run = functools.partial(
        pl.kernel,
        out_type=jax.ShapeDtypeStruct((_B, _ROW), jnp.float32),
        mesh=mesh,
        scratch_types=[
            pltpu.VMEM((_BPW,), jnp.int32),
            [pltpu.VMEM((_BPW,), jnp.int32)] * _NCHUNK,
            [pltpu.VMEM((_BPW, _DC), jnp.float32)] * _NBUF,
            [pltpu.SemaphoreType.DMA] * _NBUF,
            [pltpu.SemaphoreType.DMA] * _NBUF,
        ],
    )(_gather_body)
    return run(table2, idx)


def kernel(x_embed, prompt, Wk1, bk1, Wk2, bk2, Wv1, bv1, Wv2, bv2,
           prompt_idx):
    del x_embed
    table = _build_table(prompt, Wk1, bk1, Wk2, bk2, Wv1, bv1, Wv2, bv2)
    table2 = table.reshape(_POOL * _NCHUNK, _DC)
    idx = prompt_idx.astype(jnp.int32)
    out = _gather(table2, idx)
    bp = out.reshape(_B, 1, 2, _LEN, 12, 64)
    return (prompt_idx, bp)

# --- scband reference (transcript-rebuilt; emitter-appended) ---
"""Pipeline reference for scband-eprompt-51900384805548 (READ-ONLY COPY).

The authoritative reference and input builder live on the scoring server;
editing this copy changes nothing except your own understanding.
"""

import jax, jax.numpy as jnp
import numpy as np

POOL_SIZE = 10
LENGTH = 20
EMBED_DIM = 768
NUM_LAYERS = 1
NUM_HEADS = 12
BOTTLENECK = 800
BATCH = 512
N_TOK = 196


def _mlp(x, W1, b1, W2, b2):
    # torch nn.Sequential(Linear(768, bottleneck), ReLU(), Linear(bottleneck, 768))
    return jnp.maximum(x @ W1 + b1, 0.0) @ W2 + b2


def setup_inputs(seed: int = 0):
    key = jax.random.key(seed)
    ks = jax.random.split(key, 8)
    x_embed = jax.random.normal(ks[0], (BATCH, N_TOK, EMBED_DIM), dtype=jnp.float32)
    # prompt pool: (pool_size, 2, num_layers, length, embed_dim), uniform(-1, 1)
    prompt = jax.random.uniform(ks[1], (POOL_SIZE, 2, NUM_LAYERS, LENGTH, EMBED_DIM), minval=-1.0, maxval=1.0, dtype=jnp.float32)
    # prefix MLP params for the active task (task_id): key branch and value branch
    Wk1 = jax.random.normal(ks[2], (EMBED_DIM, BOTTLENECK), dtype=jnp.float32) * 0.02
    bk1 = jnp.zeros((BOTTLENECK,), dtype=jnp.float32)
    Wk2 = jax.random.normal(ks[3], (BOTTLENECK, EMBED_DIM), dtype=jnp.float32) * 0.02
    bk2 = jnp.zeros((EMBED_DIM,), dtype=jnp.float32)
    Wv1 = jax.random.normal(ks[4], (EMBED_DIM, BOTTLENECK), dtype=jnp.float32) * 0.02
    bv1 = jnp.zeros((BOTTLENECK,), dtype=jnp.float32)
    Wv2 = jax.random.normal(ks[5], (BOTTLENECK, EMBED_DIM), dtype=jnp.float32) * 0.02
    bv2 = jnp.zeros((EMBED_DIM,), dtype=jnp.float32)
    prompt_idx = jax.random.randint(ks[6], (BATCH,), 0, POOL_SIZE)
    return {"x_embed": x_embed, "prompt": prompt, "Wk1": Wk1, "bk1": bk1, "Wk2": Wk2, "bk2": bk2,
            "Wv1": Wv1, "bv1": bv1, "Wv2": Wv2, "bv2": bv2, "prompt_idx": prompt_idx}


def reference(x_embed, prompt, Wk1, bk1, Wk2, bk2, Wv1, bv1, Wv2, bv2, prompt_idx):
    # EPrompt.forward with prompt_pool=True, use_prefix_tune_for_e_prompt=True,
    # train=True, use_prefix_mlp=True, batchwise_prompt=False, prompt_mask=None.
    idx = prompt_idx  # [B]
    p0 = jnp.take(prompt, idx, axis=0)[:, 0]  # [B, num_layers, length, D]
    batched_prompt_i_0 = p0 + _mlp(p0, Wk1, bk1, Wk2, bk2)
    p1 = jnp.take(prompt, idx, axis=0)[:, 1]
    batched_prompt_i_1 = p1 + _mlp(p1, Wv1, bv1, Wv2, bv2)
    raw = jnp.stack([batched_prompt_i_0, batched_prompt_i_1], axis=2)  # [B, 1, 2, length, D]
    raw = raw[:, None]  # unsqueeze(1) -> [B, 1, 1, 2, length, D]
    B, top_k, dual, num_layers, length, embed_dim = raw.shape
    bp = raw.reshape(B, top_k, dual, num_layers, length, NUM_HEADS, embed_dim // NUM_HEADS)
    assert top_k == 1
    bp = jnp.squeeze(bp, axis=1)  # [B, 1, 2, length, num_heads, head_dim]
    return (idx, bp)

if __name__ == "__main__":
    import jax
    _d = setup_inputs()
    print(jax.jit(kernel)(*tuple(_d.values())))

</pallas_src>

<mosaic_0001>
#map = affine_map<(d0, d1) -> (0, 0)>
#map1 = affine_map<(d0, d1) -> (0)>
module attributes {stable_mosaic.version = 14 : i64} {
  func.func @_gather_body(%arg0: i32, %arg1: i32, %arg2: memref<120x2560xf32, #tpu.memory_space<hbm>>, %arg3: memref<512xi32, #tpu.memory_space<hbm>>, %arg4: memref<512x30720xf32, #tpu.memory_space<hbm>>, %arg5: memref<16xi32, #tpu.memory_space<vmem>>, %arg6: memref<16xi32, #tpu.memory_space<vmem>>, %arg7: memref<16xi32, #tpu.memory_space<vmem>>, %arg8: memref<16xi32, #tpu.memory_space<vmem>>, %arg9: memref<16xi32, #tpu.memory_space<vmem>>, %arg10: memref<16xi32, #tpu.memory_space<vmem>>, %arg11: memref<16xi32, #tpu.memory_space<vmem>>, %arg12: memref<16xi32, #tpu.memory_space<vmem>>, %arg13: memref<16xi32, #tpu.memory_space<vmem>>, %arg14: memref<16xi32, #tpu.memory_space<vmem>>, %arg15: memref<16xi32, #tpu.memory_space<vmem>>, %arg16: memref<16xi32, #tpu.memory_space<vmem>>, %arg17: memref<16xi32, #tpu.memory_space<vmem>>, %arg18: memref<16x2560xf32, #tpu.memory_space<vmem>>, %arg19: memref<16x2560xf32, #tpu.memory_space<vmem>>, %arg20: memref<16x2560xf32, #tpu.memory_space<vmem>>, %arg21: memref<!tpu.dma_semaphore, #tpu.memory_space<semaphore_mem>>, %arg22: memref<!tpu.dma_semaphore, #tpu.memory_space<semaphore_mem>>, %arg23: memref<!tpu.dma_semaphore, #tpu.memory_space<semaphore_mem>>, %arg24: memref<!tpu.dma_semaphore, #tpu.memory_space<semaphore_mem>>, %arg25: memref<!tpu.dma_semaphore, #tpu.memory_space<semaphore_mem>>, %arg26: memref<!tpu.dma_semaphore, #tpu.memory_space<semaphore_mem>>) attributes {dimension_semantics = [#tpu.dimension_semantics<core_parallel>, #tpu.dimension_semantics<subcore_parallel>], iteration_bounds = array<i64: 2, 16>, scalar_prefetch = 0 : i64, scratch_operands = 22 : i64, tpu.core_type = #tpu.core_type<sc_vector_subcore>, window_params = [{transform_indices = #map}, {transform_indices = #map1}, {transform_indices = #map}]} {
    %mul3A = arith.constant 2 : i32
    %mul3A_0 = arith.muli %arg1, %mul3A : i32
    %add3A = arith.addi %mul3A_0, %arg0 : i32
    %mul3A_1 = arith.constant 16 : i32
    %mul3A_2 = arith.muli %add3A, %mul3A_1 : i32
    "tpu.region"() ({
      %run_scoped3A = tpu.sem_alloc : memref<!tpu.dma_semaphore, #tpu.memory_space<semaphore_mem>>
      %dma_start3A_290 = tpu.memref_slice %arg3[%mul3A_2] : memref<512xi32, #tpu.memory_space<hbm>> -> memref<16xi32, #tpu.memory_space<hbm>>
      %dma_start3A_291 = tpu.memref_slice %arg3[%mul3A_2] : memref<512xi32, #tpu.memory_space<hbm>> -> memref<16xi32, #tpu.memory_space<hbm>>
      tpu.enqueue_dma source(%dma_start3A_291 : memref<16xi32, #tpu.memory_space<hbm>>) target(%arg5 : memref<16xi32, #tpu.memory_space<vmem>>) target_semaphore(%run_scoped3A : memref<!tpu.dma_semaphore, #tpu.memory_space<semaphore_mem>>)
      %dma_wait3A_292 = tpu.memref_slice %arg3[%mul3A_2] : memref<512xi32, #tpu.memory_space<hbm>> -> memref<16xi32, #tpu.memory_space<hbm>>
      %dma_wait3A_293 = tpu.memref_slice %arg3[%mul3A_2] : memref<512xi32, #tpu.memory_space<hbm>> -> memref<16xi32, #tpu.memory_space<hbm>>
      tpu.wait_dma2 semaphore(%run_scoped3A : memref<!tpu.dma_semaphore, #tpu.memory_space<semaphore_mem>>) src(%dma_wait3A_293 : memref<16xi32, #tpu.memory_space<hbm>>) dst(%arg5 : memref<16xi32, #tpu.memory_space<vmem>>)
      tpu.yield
    }) : () -> ()
    %get3A = arith.constant 0 : index
    %get3A_3 = tpu.vector_load %arg5[%get3A] {strides = array<i32>} : memref<16xi32, #tpu.memory_space<vmem>>, vector<16xi32>,
    %get3A_4 = vector.shape_cast %get3A_3 : vector<16xi32> to vector<16xi32>
    %mul3A_5 = arith.constant 12 : i32
    %mul3A_6 = vector.broadcast %mul3A_5 : i32 to vector<16xi32>
    %mul3A_7 = arith.muli %get3A_4, %mul3A_6 : vector<16xi32>
    %add3A_8 = arith.constant 0 : i32
    %add3A_9 = vector.broadcast %add3A_8 : i32 to vector<16xi32>
    %add3A_10 = arith.addi %mul3A_7, %add3A_9 : vector<16xi32>
    %swap3A = arith.constant 0 : index
    %swap3A_11 = tpu.vector_load %arg6[%swap3A] {strides = array<i32>} : memref<16xi32, #tpu.memory_space<vmem>>, vector<16xi32>,
    %swap3A_12 = vector.shape_cast %swap3A_11 : vector<16xi32> to vector<16xi32>
    %swap3A_13 = vector.shape_cast %add3A_10 : vector<16xi32> to vector<16xi32>
    tpu.vector_store %arg6[%swap3A], %swap3A_13 {strides = array<i32>} : memref<16xi32, #tpu.memory_space<vmem>>, vector<16xi32>,
    %mul3A_14 = arith.constant 12 : i32
    %mul3A_15 = vector.broadcast %mul3A_14 : i32 to vector<16xi32>
    %mul3A_16 = arith.muli %get3A_4, %mul3A_15 : vector<16xi32>
    %add3A_17 = arith.constant 1 : i32
    %add3A_18 = vector.broadcast %add3A_17 : i32 to vector<16xi32>
    %add3A_19 = arith.addi %mul3A_16, %add3A_18 : vector<16xi32>
    %swap3A_20 = arith.constant 0 : index
    %swap3A_21 = tpu.vector_load %arg7[%swap3A_20] {strides = array<i32>} : memref<16xi32, #tpu.memory_space<vmem>>, vector<16xi32>,
    %swap3A_22 = vector.shape_cast %swap3A_21 : vector<16xi32> to vector<16xi32>
    %swap3A_23 = vector.shape_cast %add3A_19 : vector<16xi32> to vector<16xi32>
    tpu.vector_store %arg7[%swap3A_20], %swap3A_23 {strides = array<i32>} : memref<16xi32, #tpu.memory_space<vmem>>, vector<16xi32>,
    %mul3A_24 = arith.constant 12 : i32
    %mul3A_25 = vector.broadcast %mul3A_24 : i32 to vector<16xi32>
    %mul3A_26 = arith.muli %get3A_4, %mul3A_25 : vector<16xi32>
    %add3A_27 = arith.constant 2 : i32
    %add3A_28 = vector.broadcast %add3A_27 : i32 to vector<16xi32>
    %add3A_29 = arith.addi %mul3A_26, %add3A_28 : vector<16xi32>
    %swap3A_30 = arith.constant 0 : index
    %swap3A_31 = tpu.vector_load %arg8[%swap3A_30] {strides = array<i32>} : memref<16xi32, #tpu.memory_space<vmem>>, vector<16xi32>,
    %swap3A_32 = vector.shape_cast %swap3A_31 : vector<16xi32> to vector<16xi32>
    %swap3A_33 = vector.shape_cast %add3A_29 : vector<16xi32> to vector<16xi32>
    tpu.vector_store %arg8[%swap3A_30], %swap3A_33 {strides = array<i32>} : memref<16xi32, #tpu.memory_space<vmem>>, vector<16xi32>,
    %mul3A_34 = arith.constant 12 : i32
    %mul3A_35 = vector.broadcast %mul3A_34 : i32 to vector<16xi32>
    %mul3A_36 = arith.muli %get3A_4, %mul3A_35 : vector<16xi32>
    %add3A_37 = arith.constant 3 : i32
    %add3A_38 = vector.broadcast %add3A_37 : i32 to vector<16xi32>
    %add3A_39 = arith.addi %mul3A_36, %add3A_38 : vector<16xi32>
    %swap3A_40 = arith.constant 0 : index
    %swap3A_41 = tpu.vector_load %arg9[%swap3A_40] {strides = array<i32>} : memref<16xi32, #tpu.memory_space<vmem>>, vector<16xi32>,
    %swap3A_42 = vector.shape_cast %swap3A_41 : vector<16xi32> to vector<16xi32>
    %swap3A_43 = vector.shape_cast %add3A_39 : vector<16xi32> to vector<16xi32>
    tpu.vector_store %arg9[%swap3A_40], %swap3A_43 {strides = array<i32>} : memref<16xi32, #tpu.memory_space<vmem>>, vector<16xi32>,
    %mul3A_44 = arith.constant 12 : i32
    %mul3A_45 = vector.broadcast %mul3A_44 : i32 to vector<16xi32>
    %mul3A_46 = arith.muli %get3A_4, %mul3A_45 : vector<16xi32>
    %add3A_47 = arith.constant 4 : i32
    %add3A_48 = vector.broadcast %add3A_47 : i32 to vector<16xi32>
    %add3A_49 = arith.addi %mul3A_46, %add3A_48 : vector<16xi32>
    %swap3A_50 = arith.constant 0 : index
    %swap3A_51 = tpu.vector_load %arg10[%swap3A_50] {strides = array<i32>} : memref<16xi32, #tpu.memory_space<vmem>>, vector<16xi32>,
    %swap3A_52 = vector.shape_cast %swap3A_51 : vector<16xi32> to vector<16xi32>
    %swap3A_53 = vector.shape_cast %add3A_49 : vector<16xi32> to vector<16xi32>
    tpu.vector_store %arg10[%swap3A_50], %swap3A_53 {strides = array<i32>} : memref<16xi32, #tpu.memory_space<vmem>>, vector<16xi32>,
    %mul3A_54 = arith.constant 12 : i32
    %mul3A_55 = vector.broadcast %mul3A_54 : i32 to vector<16xi32>
    %mul3A_56 = arith.muli %get3A_4, %mul3A_55 : vector<16xi32>
    %add3A_57 = arith.constant 5 : i32
    %add3A_58 = vector.broadcast %add3A_57 : i32 to vector<16xi32>
    %add3A_59 = arith.addi %mul3A_56, %add3A_58 : vector<16xi32>
    %swap3A_60 = arith.constant 0 : index
    %swap3A_61 = tpu.vector_load %arg11[%swap3A_60] {strides = array<i32>} : memref<16xi32, #tpu.memory_space<vmem>>, vector<16xi32>,
    %swap3A_62 = vector.shape_cast %swap3A_61 : vector<16xi32> to vector<16xi32>
    %swap3A_63 = vector.shape_cast %add3A_59 : vector<16xi32> to vector<16xi32>
    tpu.vector_store %arg11[%swap3A_60], %swap3A_63 {strides = array<i32>} : memref<16xi32, #tpu.memory_space<vmem>>, vector<16xi32>,
    %mul3A_64 = arith.constant 12 : i32
    %mul3A_65 = vector.broadcast %mul3A_64 : i32 to vector<16xi32>
    %mul3A_66 = arith.muli %get3A_4, %mul3A_65 : vector<16xi32>
    %add3A_67 = arith.constant 6 : i32
    %add3A_68 = vector.broadcast %add3A_67 : i32 to vector<16xi32>
    %add3A_69 = arith.addi %mul3A_66, %add3A_68 : vector<16xi32>
    %swap3A_70 = arith.constant 0 : index
    %swap3A_71 = tpu.vector_load %arg12[%swap3A_70] {strides = array<i32>} : memref<16xi32, #tpu.memory_space<vmem>>, vector<16xi32>,
    %swap3A_72 = vector.shape_cast %swap3A_71 : vector<16xi32> to vector<16xi32>
    %swap3A_73 = vector.shape_cast %add3A_69 : vector<16xi32> to vector<16xi32>
    tpu.vector_store %arg12[%swap3A_70], %swap3A_73 {strides = array<i32>} : memref<16xi32, #tpu.memory_space<vmem>>, vector<16xi32>,
    %mul3A_74 = arith.constant 12 : i32
    %mul3A_75 = vector.broadcast %mul3A_74 : i32 to vector<16xi32>
    %mul3A_76 = arith.muli %get3A_4, %mul3A_75 : vector<16xi32>
    %add3A_77 = arith.constant 7 : i32
    %add3A_78 = vector.broadcast %add3A_77 : i32 to vector<16xi32>
    %add3A_79 = arith.addi %mul3A_76, %add3A_78 : vector<16xi32>
    %swap3A_80 = arith.constant 0 : index
    %swap3A_81 = tpu.vector_load %arg13[%swap3A_80] {strides = array<i32>} : memref<16xi32, #tpu.memory_space<vmem>>, vector<16xi32>,
    %swap3A_82 = vector.shape_cast %swap3A_81 : vector<16xi32> to vector<16xi32>
    %swap3A_83 = vector.shape_cast %add3A_79 : vector<16xi32> to vector<16xi32>
    tpu.vector_store %arg13[%swap3A_80], %swap3A_83 {strides = array<i32>} : memref<16xi32, #tpu.memory_space<vmem>>, vector<16xi32>,
    %mul3A_84 = arith.constant 12 : i32
    %mul3A_85 = vector.broadcast %mul3A_84 : i32 to vector<16xi32>
    %mul3A_86 = arith.muli %get3A_4, %mul3A_85 : vector<16xi32>
    %add3A_87 = arith.constant 8 : i32
    %add3A_88 = vector.broadcast %add3A_87 : i32 to vector<16xi32>
    %add3A_89 = arith.addi %mul3A_86, %add3A_88 : vector<16xi32>
    %swap3A_90 = arith.constant 0 : index
    %swap3A_91 = tpu.vector_load %arg14[%swap3A_90] {strides = array<i32>} : memref<16xi32, #tpu.memory_space<vmem>>, vector<16xi32>,
    %swap3A_92 = vector.shape_cast %swap3A_91 : vector<16xi32> to vector<16xi32>
    %swap3A_93 = vector.shape_cast %add3A_89 : vector<16xi32> to vector<16xi32>
    tpu.vector_store %arg14[%swap3A_90], %swap3A_93 {strides = array<i32>} : memref<16xi32, #tpu.memory_space<vmem>>, vector<16xi32>,
    %mul3A_94 = arith.constant 12 : i32
    %mul3A_95 = vector.broadcast %mul3A_94 : i32 to vector<16xi32>
    %mul3A_96 = arith.muli %get3A_4, %mul3A_95 : vector<16xi32>
    %add3A_97 = arith.constant 9 : i32
    %add3A_98 = vector.broadcast %add3A_97 : i32 to vector<16xi32>
    %add3A_99 = arith.addi %mul3A_96, %add3A_98 : vector<16xi32>
    %swap3A_100 = arith.constant 0 : index
    %swap3A_101 = tpu.vector_load %arg15[%swap3A_100] {strides = array<i32>} : memref<16xi32, #tpu.memory_space<vmem>>, vector<16xi32>,
    %swap3A_102 = vector.shape_cast %swap3A_101 : vector<16xi32> to vector<16xi32>
    %swap3A_103 = vector.shape_cast %add3A_99 : vector<16xi32> to vector<16xi32>
    tpu.vector_store %arg15[%swap3A_100], %swap3A_103 {strides = array<i32>} : memref<16xi32, #tpu.memory_space<vmem>>, vector<16xi32>,
    %mul3A_104 = arith.constant 12 : i32
    %mul3A_105 = vector.broadcast %mul3A_104 : i32 to vector<16xi32>
    %mul3A_106 = arith.muli %get3A_4, %mul3A_105 : vector<16xi32>
    %add3A_107 = arith.constant 10 : i32
    %add3A_108 = vector.broadcast %add3A_107 : i32 to vector<16xi32>
    %add3A_109 = arith.addi %mul3A_106, %add3A_108 : vector<16xi32>
    %swap3A_110 = arith.constant 0 : index
    %swap3A_111 = tpu.vector_load %arg16[%swap3A_110] {strides = array<i32>} : memref<16xi32, #tpu.memory_space<vmem>>, vector<16xi32>,
    %swap3A_112 = vector.shape_cast %swap3A_111 : vector<16xi32> to vector<16xi32>
    %swap3A_113 = vector.shape_cast %add3A_109 : vector<16xi32> to vector<16xi32>
    tpu.vector_store %arg16[%swap3A_110], %swap3A_113 {strides = array<i32>} : memref<16xi32, #tpu.memory_space<vmem>>, vector<16xi32>,
    %mul3A_114 = arith.constant 12 : i32
    %mul3A_115 = vector.broadcast %mul3A_114 : i32 to vector<16xi32>
    %mul3A_116 = arith.muli %get3A_4, %mul3A_115 : vector<16xi32>
    %add3A_117 = arith.constant 11 : i32
    %add3A_118 = vector.broadcast %add3A_117 : i32 to vector<16xi32>
    %add3A_119 = arith.addi %mul3A_116, %add3A_118 : vector<16xi32>
    %swap3A_120 = arith.constant 0 : index
    %swap3A_121 = tpu.vector_load %arg17[%swap3A_120] {strides = array<i32>} : memref<16xi32, #tpu.memory_space<vmem>>, vector<16xi32>,
    %swap3A_122 = vector.shape_cast %swap3A_121 : vector<16xi32> to vector<16xi32>
    %swap3A_123 = vector.shape_cast %add3A_119 : vector<16xi32> to vector<16xi32>
    tpu.vector_store %arg17[%swap3A_120], %swap3A_123 {strides = array<i32>} : memref<16xi32, #tpu.memory_space<vmem>>, vector<16xi32>,
    %dma_start3A = arith.constant 0 : i32
    %dma_start3A_124 = arith.constant 0 : i32
    %dma_start3A_125 = tpu.memref_slice %arg2[%dma_start3A, %dma_start3A_124] : memref<120x2560xf32, #tpu.memory_space<hbm>> -> memref<120x2560xf32, #tpu.memory_space<hbm>>
    tpu.enqueue_indirect_dma source(%dma_start3A_125 : memref<120x2560xf32, #tpu.memory_space<hbm>>) target(%arg18 : memref<16x2560xf32, #tpu.memory_space<vmem>>) offsets(%arg6 : memref<16xi32, #tpu.memory_space<vmem>>) semaphore(%arg21 : memref<!tpu.dma_semaphore, #tpu.memory_space<semaphore_mem>>)
    %dma_start3A_126 = arith.constant 0 : i32
    %dma_start3A_127 = arith.constant 0 : i32
    %dma_start3A_128 = tpu.memref_slice %arg2[%dma_start3A_126, %dma_start3A_127] : memref<120x2560xf32, #tpu.memory_space<hbm>> -> memref<120x2560xf32, #tpu.memory_space<hbm>>
    tpu.enqueue_indirect_dma source(%dma_start3A_128 : memref<120x2560xf32, #tpu.memory_space<hbm>>) target(%arg19 : memref<16x2560xf32, #tpu.memory_space<vmem>>) offsets(%arg7 : memref<16xi32, #tpu.memory_space<vmem>>) semaphore(%arg22 : memref<!tpu.dma_semaphore, #tpu.memory_space<semaphore_mem>>)
    %dma_wait3A = arith.constant 0 : i32
    %dma_wait3A_129 = arith.constant 0 : i32
    %dma_wait3A_130 = tpu.memref_slice %arg2[%dma_wait3A, %dma_wait3A_129] : memref<120x2560xf32, #tpu.memory_space<hbm>> -> memref<120x2560xf32, #tpu.memory_space<hbm>>
    tpu.wait_indirect_dma semaphore(%arg21 : memref<!tpu.dma_semaphore, #tpu.memory_space<semaphore_mem>>) src(%dma_wait3A_130 : memref<120x2560xf32, #tpu.memory_space<hbm>>) dst(%arg18 : memref<16x2560xf32, #tpu.memory_space<vmem>>)
    %dma_start3A_131 = arith.constant 0 : i32
    %dma_start3A_132 = tpu.memref_slice %arg4[%mul3A_2, %dma_start3A_131] : memref<512x30720xf32, #tpu.memory_space<hbm>> -> memref<16x2560xf32, #tpu.memory_space<hbm>>
    %dma_start3A_133 = arith.constant 0 : i32
    %dma_start3A_134 = tpu.memref_slice %arg4[%mul3A_2, %dma_start3A_133] : memref<512x30720xf32, #tpu.memory_space<hbm>> -> memref<16x2560xf32, #tpu.memory_space<hbm>>
    tpu.enqueue_dma source(%arg18 : memref<16x2560xf32, #tpu.memory_space<vmem>>) target(%dma_start3A_134 : memref<16x2560xf32, #tpu.memory_space<hbm>>) target_semaphore(%arg24 : memref<!tpu.dma_semaphore, #tpu.memory_space<semaphore_mem>>)
    %dma_start3A_135 = arith.constant 0 : i32
    %dma_start3A_136 = arith.constant 0 : i32
    %dma_start3A_137 = tpu.memref_slice %arg2[%dma_start3A_135, %dma_start3A_136] : memref<120x2560xf32, #tpu.memory_space<hbm>> -> memref<120x2560xf32, #tpu.memory_space<hbm>>
    tpu.enqueue_indirect_dma source(%dma_start3A_137 : memref<120x2560xf32, #tpu.memory_space<hbm>>) target(%arg20 : memref<16x2560xf32, #tpu.memory_space<vmem>>) offsets(%arg8 : memref<16xi32, #tpu.memory_space<vmem>>) semaphore(%arg23 : memref<!tpu.dma_semaphore, #tpu.memory_space<semaphore_mem>>)
    %dma_wait3A_138 = arith.constant 0 : i32
    %dma_wait3A_139 = arith.constant 0 : i32
    %dma_wait3A_140 = tpu.memref_slice %arg2[%dma_wait3A_138, %dma_wait3A_139] : memref<120x2560xf32, #tpu.memory_space<hbm>> -> memref<120x2560xf32, #tpu.memory_space<hbm>>
    tpu.wait_indirect_dma semaphore(%arg22 : memref<!tpu.dma_semaphore, #tpu.memory_space<semaphore_mem>>) src(%dma_wait3A_140 : memref<120x2560xf32, #tpu.memory_space<hbm>>) dst(%arg19 : memref<16x2560xf32, #tpu.memory_space<vmem>>)
    %dma_start3A_141 = arith.constant 2560 : i32
    %dma_start3A_142 = tpu.memref_slice %arg4[%mul3A_2, %dma_start3A_141] : memref<512x30720xf32, #tpu.memory_space<hbm>> -> memref<16x2560xf32, #tpu.memory_space<hbm>>
    %dma_start3A_143 = arith.constant 2560 : i32
    %dma_start3A_144 = tpu.memref_slice %arg4[%mul3A_2, %dma_start3A_143] : memref<512x30720xf32, #tpu.memory_space<hbm>> -> memref<16x2560xf32, #tpu.memory_space<hbm>>
    tpu.enqueue_dma source(%arg19 : memref<16x2560xf32, #tpu.memory_space<vmem>>) target(%dma_start3A_144 : memref<16x2560xf32, #tpu.memory_space<hbm>>) target_semaphore(%arg25 : memref<!tpu.dma_semaphore, #tpu.memory_space<semaphore_mem>>)
    %dma_wait3A_145 = arith.constant 0 : i32
    %dma_wait3A_146 = tpu.memref_slice %arg4[%mul3A_2, %dma_wait3A_145] : memref<512x30720xf32, #tpu.memory_space<hbm>> -> memref<16x2560xf32, #tpu.memory_space<hbm>>
    %dma_wait3A_147 = arith.constant 0 : i32
    %dma_wait3A_148 = tpu.memref_slice %arg4[%mul3A_2, %dma_wait3A_147] : memref<512x30720xf32, #tpu.memory_space<hbm>> -> memref<16x2560xf32, #tpu.memory_space<hbm>>
    tpu.wait_dma2 semaphore(%arg24 : memref<!tpu.dma_semaphore, #tpu.memory_space<semaphore_mem>>) src(%arg18 : memref<16x2560xf32, #tpu.memory_space<vmem>>) dst(%dma_wait3A_148 : memref<16x2560xf32, #tpu.memory_space<hbm>>)
    %dma_start3A_149 = arith.constant 0 : i32
    %dma_start3A_150 = arith.constant 0 : i32
    %dma_start3A_151 = tpu.memref_slice %arg2[%dma_start3A_149, %dma_start3A_150] : memref<120x2560xf32, #tpu.memory_space<hbm>> -> memref<120x2560xf32, #tpu.memory_space<hbm>>
    tpu.enqueue_indirect_dma source(%dma_start3A_151 : memref<120x2560xf32, #tpu.memory_space<hbm>>) target(%arg18 : memref<16x2560xf32, #tpu.memory_space<vmem>>) offsets(%arg9 : memref<16xi32, #tpu.memory_space<vmem>>) semaphore(%arg21 : memref<!tpu.dma_semaphore, #tpu.memory_space<semaphore_mem>>)
    %dma_wait3A_152 = arith.constant 0 : i32
    %dma_wait3A_153 = arith.constant 0 : i32
    %dma_wait3A_154 = tpu.memref_slice %arg2[%dma_wait3A_152, %dma_wait3A_153] : memref<120x2560xf32, #tpu.memory_space<hbm>> -> memref<120x2560xf32, #tpu.memory_space<hbm>>
    tpu.wait_indirect_dma semaphore(%arg23 : memref<!tpu.dma_semaphore, #tpu.memory_space<semaphore_mem>>) src(%dma_wait3A_154 : memref<120x2560xf32, #tpu.memory_space<hbm>>) dst(%arg20 : memref<16x2560xf32, #tpu.memory_space<vmem>>)
    %dma_start3A_155 = arith.constant 5120 : i32
    %dma_start3A_156 = tpu.memref_slice %arg4[%mul3A_2, %dma_start3A_155] : memref<512x30720xf32, #tpu.memory_space<hbm>> -> memref<16x2560xf32, #tpu.memory_space<hbm>>
    %dma_start3A_157 = arith.constant 5120 : i32
    %dma_start3A_158 = tpu.memref_slice %arg4[%mul3A_2, %dma_start3A_157] : memref<512x30720xf32, #tpu.memory_space<hbm>> -> memref<16x2560xf32, #tpu.memory_space<hbm>>
    tpu.enqueue_dma source(%arg20 : memref<16x2560xf32, #tpu.memory_space<vmem>>) target(%dma_start3A_158 : memref<16x2560xf32, #tpu.memory_space<hbm>>) target_semaphore(%arg26 : memref<!tpu.dma_semaphore, #tpu.memory_space<semaphore_mem>>)
    %dma_wait3A_159 = arith.constant 2560 : i32
    %dma_wait3A_160 = tpu.memref_slice %arg4[%mul3A_2, %dma_wait3A_159] : memref<512x30720xf32, #tpu.memory_space<hbm>> -> memref<16x2560xf32, #tpu.memory_space<hbm>>
    %dma_wait3A_161 = arith.constant 2560 : i32
    %dma_wait3A_162 = tpu.memref_slice %arg4[%mul3A_2, %dma_wait3A_161] : memref<512x30720xf32, #tpu.memory_space<hbm>> -> memref<16x2560xf32, #tpu.memory_space<hbm>>
    tpu.wait_dma2 semaphore(%arg25 : memref<!tpu.dma_semaphore, #tpu.memory_space<semaphore_mem>>) src(%arg19 : memref<16x2560xf32, #tpu.memory_space<vmem>>) dst(%dma_wait3A_162 : memref<16x2560xf32, #tpu.memory_space<hbm>>)
    %dma_start3A_163 = arith.constant 0 : i32
    %dma_start3A_164 = arith.constant 0 : i32
    %dma_start3A_165 = tpu.memref_slice %arg2[%dma_start3A_163, %dma_start3A_164] : memref<120x2560xf32, #tpu.memory_space<hbm>> -> memref<120x2560xf32, #tpu.memory_space<hbm>>
    tpu.enqueue_indirect_dma source(%dma_start3A_165 : memref<120x2560xf32, #tpu.memory_space<hbm>>) target(%arg19 : memref<16x2560xf32, #tpu.memory_space<vmem>>) offsets(%arg10 : memref<16xi32, #tpu.memory_space<vmem>>) semaphore(%arg22 : memref<!tpu.dma_semaphore, #tpu.memory_space<semaphore_mem>>)
    %dma_wait3A_166 = arith.constant 0 : i32
    %dma_wait3A_167 = arith.constant 0 : i32
    %dma_wait3A_168 = tpu.memref_slice %arg2[%dma_wait3A_166, %dma_wait3A_167] : memref<120x2560xf32, #tpu.memory_space<hbm>> -> memref<120x2560xf32, #tpu.memory_space<hbm>>
    tpu.wait_indirect_dma semaphore(%arg21 : memref<!tpu.dma_semaphore, #tpu.memory_space<semaphore_mem>>) src(%dma_wait3A_168 : memref<120x2560xf32, #tpu.memory_space<hbm>>) dst(%arg18 : memref<16x2560xf32, #tpu.memory_space<vmem>>)
    %dma_start3A_169 = arith.constant 7680 : i32
    %dma_start3A_170 = tpu.memref_slice %arg4[%mul3A_2, %dma_start3A_169] : memref<512x30720xf32, #tpu.memory_space<hbm>> -> memref<16x2560xf32, #tpu.memory_space<hbm>>
    %dma_start3A_171 = arith.constant 7680 : i32
    %dma_start3A_172 = tpu.memref_slice %arg4[%mul3A_2, %dma_start3A_171] : memref<512x30720xf32, #tpu.memory_space<hbm>> -> memref<16x2560xf32, #tpu.memory_space<hbm>>
    tpu.enqueue_dma source(%arg18 : memref<16x2560xf32, #tpu.memory_space<vmem>>) target(%dma_start3A_172 : memref<16x2560xf32, #tpu.memory_space<hbm>>) target_semaphore(%arg24 : memref<!tpu.dma_semaphore, #tpu.memory_space<semaphore_mem>>)
    %dma_wait3A_173 = arith.constant 5120 : i32
    %dma_wait3A_174 = tpu.memref_slice %arg4[%mul3A_2, %dma_wait3A_173] : memref<512x30720xf32, #tpu.memory_space<hbm>> -> memref<16x2560xf32, #tpu.memory_space<hbm>>
    %dma_wait3A_175 = arith.constant 5120 : i32
    %dma_wait3A_176 = tpu.memref_slice %arg4[%mul3A_2, %dma_wait3A_175] : memref<512x30720xf32, #tpu.memory_space<hbm>> -> memref<16x2560xf32, #tpu.memory_space<hbm>>
    tpu.wait_dma2 semaphore(%arg26 : memref<!tpu.dma_semaphore, #tpu.memory_space<semaphore_mem>>) src(%arg20 : memref<16x2560xf32, #tpu.memory_space<vmem>>) dst(%dma_wait3A_176 : memref<16x2560xf32, #tpu.memory_space<hbm>>)
    %dma_start3A_177 = arith.constant 0 : i32
    %dma_start3A_178 = arith.constant 0 : i32
    %dma_start3A_179 = tpu.memref_slice %arg2[%dma_start3A_177, %dma_start3A_178] : memref<120x2560xf32, #tpu.memory_space<hbm>> -> memref<120x2560xf32, #tpu.memory_space<hbm>>
    tpu.enqueue_indirect_dma source(%dma_start3A_179 : memref<120x2560xf32, #tpu.memory_space<hbm>>) target(%arg20 : memref<16x2560xf32, #tpu.memory_space<vmem>>) offsets(%arg11 : memref<16xi32, #tpu.memory_space<vmem>>) semaphore(%arg23 : memref<!tpu.dma_semaphore, #tpu.memory_space<semaphore_mem>>)
    %dma_wait3A_180 = arith.constant 0 : i32
    %dma_wait3A_181 = arith.constant 0 : i32
    %dma_wait3A_182 = tpu.memref_slice %arg2[%dma_wait3A_180, %dma_wait3A_181] : memref<120x2560xf32, #tpu.memory_space<hbm>> -> memref<120x2560xf32, #tpu.memory_space<hbm>>
    tpu.wait_indirect_dma semaphore(%arg22 : memref<!tpu.dma_semaphore, #tpu.memory_space<semaphore_mem>>) src(%dma_wait3A_182 : memref<120x2560xf32, #tpu.memory_space<hbm>>) dst(%arg19 : memref<16x2560xf32, #tpu.memory_space<vmem>>)
    %dma_start3A_183 = arith.constant 10240 : i32
    %dma_start3A_184 = tpu.memref_slice %arg4[%mul3A_2, %dma_start3A_183] : memref<512x30720xf32, #tpu.memory_space<hbm>> -> memref<16x2560xf32, #tpu.memory_space<hbm>>
    %dma_start3A_185 = arith.constant 10240 : i32
    %dma_start3A_186 = tpu.memref_slice %arg4[%mul3A_2, %dma_start3A_185] : memref<512x30720xf32, #tpu.memory_space<hbm>> -> memref<16x2560xf32, #tpu.memory_space<hbm>>
    tpu.enqueue_dma source(%arg19 : memref<16x2560xf32, #tpu.memory_space<vmem>>) target(%dma_start3A_186 : memref<16x2560xf32, #tpu.memory_space<hbm>>) target_semaphore(%arg25 : memref<!tpu.dma_semaphore, #tpu.memory_space<semaphore_mem>>)
    %dma_wait3A_187 = arith.constant 7680 : i32
    %dma_wait3A_188 = tpu.memref_slice %arg4[%mul3A_2, %dma_wait3A_187] : memref<512x30720xf32, #tpu.memory_space<hbm>> -> memref<16x2560xf32, #tpu.memory_space<hbm>>
    %dma_wait3A_189 = arith.constant 7680 : i32
    %dma_wait3A_190 = tpu.memref_slice %arg4[%mul3A_2, %dma_wait3A_189] : memref<512x30720xf32, #tpu.memory_space<hbm>> -> memref<16x2560xf32, #tpu.memory_space<hbm>>
    tpu.wait_dma2 semaphore(%arg24 : memref<!tpu.dma_semaphore, #tpu.memory_space<semaphore_mem>>) src(%arg18 : memref<16x2560xf32, #tpu.memory_space<vmem>>) dst(%dma_wait3A_190 : memref<16x2560xf32, #tpu.memory_space<hbm>>)
    %dma_start3A_191 = arith.constant 0 : i32
    %dma_start3A_192 = arith.constant 0 : i32
    %dma_start3A_193 = tpu.memref_slice %arg2[%dma_start3A_191, %dma_start3A_192] : memref<120x2560xf32, #tpu.memory_space<hbm>> -> memref<120x2560xf32, #tpu.memory_space<hbm>>
    tpu.enqueue_indirect_dma source(%dma_start3A_193 : memref<120x2560xf32, #tpu.memory_space<hbm>>) target(%arg18 : memref<16x2560xf32, #tpu.memory_space<vmem>>) offsets(%arg12 : memref<16xi32, #tpu.memory_space<vmem>>) semaphore(%arg21 : memref<!tpu.dma_semaphore, #tpu.memory_space<semaphore_mem>>)
    %dma_wait3A_194 = arith.constant 0 : i32
    %dma_wait3A_195 = arith.constant 0 : i32
    %dma_wait3A_196 = tpu.memref_slice %arg2[%dma_wait3A_194, %dma_wait3A_195] : memref<120x2560xf32, #tpu.memory_space<hbm>> -> memref<120x2560xf32, #tpu.memory_space<hbm>>
    tpu.wait_indirect_dma semaphore(%arg23 : memref<!tpu.dma_semaphore, #tpu.memory_space<semaphore_mem>>) src(%dma_wait3A_196 : memref<120x2560xf32, #tpu.memory_space<hbm>>) dst(%arg20 : memref<16x2560xf32, #tpu.memory_space<vmem>>)
    %dma_start3A_197 = arith.constant 12800 : i32
    %dma_start3A_198 = tpu.memref_slice %arg4[%mul3A_2, %dma_start3A_197] : memref<512x30720xf32, #tpu.memory_space<hbm>> -> memref<16x2560xf32, #tpu.memory_space<hbm>>
    %dma_start3A_199 = arith.constant 12800 : i32
    %dma_start3A_200 = tpu.memref_slice %arg4[%mul3A_2, %dma_start3A_199] : memref<512x30720xf32, #tpu.memory_space<hbm>> -> memref<16x2560xf32, #tpu.memory_space<hbm>>
    tpu.enqueue_dma source(%arg20 : memref<16x2560xf32, #tpu.memory_space<vmem>>) target(%dma_start3A_200 : memref<16x2560xf32, #tpu.memory_space<hbm>>) target_semaphore(%arg26 : memref<!tpu.dma_semaphore, #tpu.memory_space<semaphore_mem>>)
    %dma_wait3A_201 = arith.constant 10240 : i32
    %dma_wait3A_202 = tpu.memref_slice %arg4[%mul3A_2, %dma_wait3A_201] : memref<512x30720xf32, #tpu.memory_space<hbm>> -> memref<16x2560xf32, #tpu.memory_space<hbm>>
    %dma_wait3A_203 = arith.constant 10240 : i32
    %dma_wait3A_204 = tpu.memref_slice %arg4[%mul3A_2, %dma_wait3A_203] : memref<512x30720xf32, #tpu.memory_space<hbm>> -> memref<16x2560xf32, #tpu.memory_space<hbm>>
    tpu.wait_dma2 semaphore(%arg25 : memref<!tpu.dma_semaphore, #tpu.memory_space<semaphore_mem>>) src(%arg19 : memref<16x2560xf32, #tpu.memory_space<vmem>>) dst(%dma_wait3A_204 : memref<16x2560xf32, #tpu.memory_space<hbm>>)
    %dma_start3A_205 = arith.constant 0 : i32
    %dma_start3A_206 = arith.constant 0 : i32
    %dma_start3A_207 = tpu.memref_slice %arg2[%dma_start3A_205, %dma_start3A_206] : memref<120x2560xf32, #tpu.memory_space<hbm>> -> memref<120x2560xf32, #tpu.memory_space<hbm>>
    tpu.enqueue_indirect_dma source(%dma_start3A_207 : memref<120x2560xf32, #tpu.memory_space<hbm>>) target(%arg19 : memref<16x2560xf32, #tpu.memory_space<vmem>>) offsets(%arg13 : memref<16xi32, #tpu.memory_space<vmem>>) semaphore(%arg22 : memref<!tpu.dma_semaphore, #tpu.memory_space<semaphore_mem>>)
    %dma_wait3A_208 = arith.constant 0 : i32
    %dma_wait3A_209 = arith.constant 0 : i32
    %dma_wait3A_210 = tpu.memref_slice %arg2[%dma_wait3A_208, %dma_wait3A_209] : memref<120x2560xf32, #tpu.memory_space<hbm>> -> memref<120x2560xf32, #tpu.memory_space<hbm>>
    tpu.wait_indirect_dma semaphore(%arg21 : memref<!tpu.dma_semaphore, #tpu.memory_space<semaphore_mem>>) src(%dma_wait3A_210 : memref<120x2560xf32, #tpu.memory_space<hbm>>) dst(%arg18 : memref<16x2560xf32, #tpu.memory_space<vmem>>)
    %dma_start3A_211 = arith.constant 15360 : i32
    %dma_start3A_212 = tpu.memref_slice %arg4[%mul3A_2, %dma_start3A_211] : memref<512x30720xf32, #tpu.memory_space<hbm>> -> memref<16x2560xf32, #tpu.memory_space<hbm>>
    %dma_start3A_213 = arith.constant 15360 : i32
    %dma_start3A_214 = tpu.memref_slice %arg4[%mul3A_2, %dma_start3A_213] : memref<512x30720xf32, #tpu.memory_space<hbm>> -> memref<16x2560xf32, #tpu.memory_space<hbm>>
    tpu.enqueue_dma source(%arg18 : memref<16x2560xf32, #tpu.memory_space<vmem>>) target(%dma_start3A_214 : memref<16x2560xf32, #tpu.memory_space<hbm>>) target_semaphore(%arg24 : memref<!tpu.dma_semaphore, #tpu.memory_space<semaphore_mem>>)
    %dma_wait3A_215 = arith.constant 12800 : i32
    %dma_wait3A_216 = tpu.memref_slice %arg4[%mul3A_2, %dma_wait3A_215] : memref<512x30720xf32, #tpu.memory_space<hbm>> -> memref<16x2560xf32, #tpu.memory_space<hbm>>
    %dma_wait3A_217 = arith.constant 12800 : i32
    %dma_wait3A_218 = tpu.memref_slice %arg4[%mul3A_2, %dma_wait3A_217] : memref<512x30720xf32, #tpu.memory_space<hbm>> -> memref<16x2560xf32, #tpu.memory_space<hbm>>
    tpu.wait_dma2 semaphore(%arg26 : memref<!tpu.dma_semaphore, #tpu.memory_space<semaphore_mem>>) src(%arg20 : memref<16x2560xf32, #tpu.memory_space<vmem>>) dst(%dma_wait3A_218 : memref<16x2560xf32, #tpu.memory_space<hbm>>)
    %dma_start3A_219 = arith.constant 0 : i32
    %dma_start3A_220 = arith.constant 0 : i32
    %dma_start3A_221 = tpu.memref_slice %arg2[%dma_start3A_219, %dma_start3A_220] : memref<120x2560xf32, #tpu.memory_space<hbm>> -> memref<120x2560xf32, #tpu.memory_space<hbm>>
    tpu.enqueue_indirect_dma source(%dma_start3A_221 : memref<120x2560xf32, #tpu.memory_space<hbm>>) target(%arg20 : memref<16x2560xf32, #tpu.memory_space<vmem>>) offsets(%arg14 : memref<16xi32, #tpu.memory_space<vmem>>) semaphore(%arg23 : memref<!tpu.dma_semaphore, #tpu.memory_space<semaphore_mem>>)
    %dma_wait3A_222 = arith.constant 0 : i32
    %dma_wait3A_223 = arith.constant 0 : i32
    %dma_wait3A_224 = tpu.memref_slice %arg2[%dma_wait3A_222, %dma_wait3A_223] : memref<120x2560xf32, #tpu.memory_space<hbm>> -> memref<120x2560xf32, #tpu.memory_space<hbm>>
    tpu.wait_indirect_dma semaphore(%arg22 : memref<!tpu.dma_semaphore, #tpu.memory_space<semaphore_mem>>) src(%dma_wait3A_224 : memref<120x2560xf32, #tpu.memory_space<hbm>>) dst(%arg19 : memref<16x2560xf32, #tpu.memory_space<vmem>>)
    %dma_start3A_225 = arith.constant 17920 : i32
    %dma_start3A_226 = tpu.memref_slice %arg4[%mul3A_2, %dma_start3A_225] : memref<512x30720xf32, #tpu.memory_space<hbm>> -> memref<16x2560xf32, #tpu.memory_space<hbm>>
    %dma_start3A_227 = arith.constant 17920 : i32
    %dma_start3A_228 = tpu.memref_slice %arg4[%mul3A_2, %dma_start3A_227] : memref<512x30720xf32, #tpu.memory_space<hbm>> -> memref<16x2560xf32, #tpu.memory_space<hbm>>
    tpu.enqueue_dma source(%arg19 : memref<16x2560xf32, #tpu.memory_space<vmem>>) target(%dma_start3A_228 : memref<16x2560xf32, #tpu.memory_space<hbm>>) target_semaphore(%arg25 : memref<!tpu.dma_semaphore, #tpu.memory_space<semaphore_mem>>)
    %dma_wait3A_229 = arith.constant 15360 : i32
    %dma_wait3A_230 = tpu.memref_slice %arg4[%mul3A_2, %dma_wait3A_229] : memref<512x30720xf32, #tpu.memory_space<hbm>> -> memref<16x2560xf32, #tpu.memory_space<hbm>>
    %dma_wait3A_231 = arith.constant 15360 : i32
    %dma_wait3A_232 = tpu.memref_slice %arg4[%mul3A_2, %dma_wait3A_231] : memref<512x30720xf32, #tpu.memory_space<hbm>> -> memref<16x2560xf32, #tpu.memory_space<hbm>>
    tpu.wait_dma2 semaphore(%arg24 : memref<!tpu.dma_semaphore, #tpu.memory_space<semaphore_mem>>) src(%arg18 : memref<16x2560xf32, #tpu.memory_space<vmem>>) dst(%dma_wait3A_232 : memref<16x2560xf32, #tpu.memory_space<hbm>>)
    %dma_start3A_233 = arith.constant 0 : i32
    %dma_start3A_234 = arith.constant 0 : i32
    %dma_start3A_235 = tpu.memref_slice %arg2[%dma_start3A_233, %dma_start3A_234] : memref<120x2560xf32, #tpu.memory_space<hbm>> -> memref<120x2560xf32, #tpu.memory_space<hbm>>
    tpu.enqueue_indirect_dma source(%dma_start3A_235 : memref<120x2560xf32, #tpu.memory_space<hbm>>) target(%arg18 : memref<16x2560xf32, #tpu.memory_space<vmem>>) offsets(%arg15 : memref<16xi32, #tpu.memory_space<vmem>>) semaphore(%arg21 : memref<!tpu.dma_semaphore, #tpu.memory_space<semaphore_mem>>)
    %dma_wait3A_236 = arith.constant 0 : i32
    %dma_wait3A_237 = arith.constant 0 : i32
    %dma_wait3A_238 = tpu.memref_slice %arg2[%dma_wait3A_236, %dma_wait3A_237] : memref<120x2560xf32, #tpu.memory_space<hbm>> -> memref<120x2560xf32, #tpu.memory_space<hbm>>
    tpu.wait_indirect_dma semaphore(%arg23 : memref<!tpu.dma_semaphore, #tpu.memory_space<semaphore_mem>>) src(%dma_wait3A_238 : memref<120x2560xf32, #tpu.memory_space<hbm>>) dst(%arg20 : memref<16x2560xf32, #tpu.memory_space<vmem>>)
    %dma_start3A_239 = arith.constant 20480 : i32
    %dma_start3A_240 = tpu.memref_slice %arg4[%mul3A_2, %dma_start3A_239] : memref<512x30720xf32, #tpu.memory_space<hbm>> -> memref<16x2560xf32, #tpu.memory_space<hbm>>
    %dma_start3A_241 = arith.constant 20480 : i32
    %dma_start3A_242 = tpu.memref_slice %arg4[%mul3A_2, %dma_start3A_241] : memref<512x30720xf32, #tpu.memory_space<hbm>> -> memref<16x2560xf32, #tpu.memory_space<hbm>>
    tpu.enqueue_dma source(%arg20 : memref<16x2560xf32, #tpu.memory_space<vmem>>) target(%dma_start3A_242 : memref<16x2560xf32, #tpu.memory_space<hbm>>) target_semaphore(%arg26 : memref<!tpu.dma_semaphore, #tpu.memory_space<semaphore_mem>>)
    %dma_wait3A_243 = arith.constant 17920 : i32
    %dma_wait3A_244 = tpu.memref_slice %arg4[%mul3A_2, %dma_wait3A_243] : memref<512x30720xf32, #tpu.memory_space<hbm>> -> memref<16x2560xf32, #tpu.memory_space<hbm>>
    %dma_wait3A_245 = arith.constant 17920 : i32
    %dma_wait3A_246 = tpu.memref_slice %arg4[%mul3A_2, %dma_wait3A_245] : memref<512x30720xf32, #tpu.memory_space<hbm>> -> memref<16x2560xf32, #tpu.memory_space<hbm>>
    tpu.wait_dma2 semaphore(%arg25 : memref<!tpu.dma_semaphore, #tpu.memory_space<semaphore_mem>>) src(%arg19 : memref<16x2560xf32, #tpu.memory_space<vmem>>) dst(%dma_wait3A_246 : memref<16x2560xf32, #tpu.memory_space<hbm>>)
    %dma_start3A_247 = arith.constant 0 : i32
    %dma_start3A_248 = arith.constant 0 : i32
    %dma_start3A_249 = tpu.memref_slice %arg2[%dma_start3A_247, %dma_start3A_248] : memref<120x2560xf32, #tpu.memory_space<hbm>> -> memref<120x2560xf32, #tpu.memory_space<hbm>>
    tpu.enqueue_indirect_dma source(%dma_start3A_249 : memref<120x2560xf32, #tpu.memory_space<hbm>>) target(%arg19 : memref<16x2560xf32, #tpu.memory_space<vmem>>) offsets(%arg16 : memref<16xi32, #tpu.memory_space<vmem>>) semaphore(%arg22 : memref<!tpu.dma_semaphore, #tpu.memory_space<semaphore_mem>>)
    %dma_wait3A_250 = arith.constant 0 : i32
    %dma_wait3A_251 = arith.constant 0 : i32
    %dma_wait3A_252 = tpu.memref_slice %arg2[%dma_wait3A_250, %dma_wait3A_251] : memref<120x2560xf32, #tpu.memory_space<hbm>> -> memref<120x2560xf32, #tpu.memory_space<hbm>>
    tpu.wait_indirect_dma semaphore(%arg21 : memref<!tpu.dma_semaphore, #tpu.memory_space<semaphore_mem>>) src(%dma_wait3A_252 : memref<120x2560xf32, #tpu.memory_space<hbm>>) dst(%arg18 : memref<16x2560xf32, #tpu.memory_space<vmem>>)
    %dma_start3A_253 = arith.constant 23040 : i32
    %dma_start3A_254 = tpu.memref_slice %arg4[%mul3A_2, %dma_start3A_253] : memref<512x30720xf32, #tpu.memory_space<hbm>> -> memref<16x2560xf32, #tpu.memory_space<hbm>>
    %dma_start3A_255 = arith.constant 23040 : i32
    %dma_start3A_256 = tpu.memref_slice %arg4[%mul3A_2, %dma_start3A_255] : memref<512x30720xf32, #tpu.memory_space<hbm>> -> memref<16x2560xf32, #tpu.memory_space<hbm>>
    tpu.enqueue_dma source(%arg18 : memref<16x2560xf32, #tpu.memory_space<vmem>>) target(%dma_start3A_256 : memref<16x2560xf32, #tpu.memory_space<hbm>>) target_semaphore(%arg24 : memref<!tpu.dma_semaphore, #tpu.memory_space<semaphore_mem>>)
    %dma_wait3A_257 = arith.constant 20480 : i32
    %dma_wait3A_258 = tpu.memref_slice %arg4[%mul3A_2, %dma_wait3A_257] : memref<512x30720xf32, #tpu.memory_space<hbm>> -> memref<16x2560xf32, #tpu.memory_space<hbm>>
    %dma_wait3A_259 = arith.constant 20480 : i32
    %dma_wait3A_260 = tpu.memref_slice %arg4[%mul3A_2, %dma_wait3A_259] : memref<512x30720xf32, #tpu.memory_space<hbm>> -> memref<16x2560xf32, #tpu.memory_space<hbm>>
    tpu.wait_dma2 semaphore(%arg26 : memref<!tpu.dma_semaphore, #tpu.memory_space<semaphore_mem>>) src(%arg20 : memref<16x2560xf32, #tpu.memory_space<vmem>>) dst(%dma_wait3A_260 : memref<16x2560xf32, #tpu.memory_space<hbm>>)
    %dma_start3A_261 = arith.constant 0 : i32
    %dma_start3A_262 = arith.constant 0 : i32
    %dma_start3A_263 = tpu.memref_slice %arg2[%dma_start3A_261, %dma_start3A_262] : memref<120x2560xf32, #tpu.memory_space<hbm>> -> memref<120x2560xf32, #tpu.memory_space<hbm>>
    tpu.enqueue_indirect_dma source(%dma_start3A_263 : memref<120x2560xf32, #tpu.memory_space<hbm>>) target(%arg20 : memref<16x2560xf32, #tpu.memory_space<vmem>>) offsets(%arg17 : memref<16xi32, #tpu.memory_space<vmem>>) semaphore(%arg23 : memref<!tpu.dma_semaphore, #tpu.memory_space<semaphore_mem>>)
    %dma_wait3A_264 = arith.constant 0 : i32
    %dma_wait3A_265 = arith.constant 0 : i32
    %dma_wait3A_266 = tpu.memref_slice %arg2[%dma_wait3A_264, %dma_wait3A_265] : memref<120x2560xf32, #tpu.memory_space<hbm>> -> memref<120x2560xf32, #tpu.memory_space<hbm>>
    tpu.wait_indirect_dma semaphore(%arg22 : memref<!tpu.dma_semaphore, #tpu.memory_space<semaphore_mem>>) src(%dma_wait3A_266 : memref<120x2560xf32, #tpu.memory_space<hbm>>) dst(%arg19 : memref<16x2560xf32, #tpu.memory_space<vmem>>)
    %dma_start3A_267 = arith.constant 25600 : i32
    %dma_start3A_268 = tpu.memref_slice %arg4[%mul3A_2, %dma_start3A_267] : memref<512x30720xf32, #tpu.memory_space<hbm>> -> memref<16x2560xf32, #tpu.memory_space<hbm>>
    %dma_start3A_269 = arith.constant 25600 : i32
    %dma_start3A_270 = tpu.memref_slice %arg4[%mul3A_2, %dma_start3A_269] : memref<512x30720xf32, #tpu.memory_space<hbm>> -> memref<16x2560xf32, #tpu.memory_space<hbm>>
    tpu.enqueue_dma source(%arg19 : memref<16x2560xf32, #tpu.memory_space<vmem>>) target(%dma_start3A_270 : memref<16x2560xf32, #tpu.memory_space<hbm>>) target_semaphore(%arg25 : memref<!tpu.dma_semaphore, #tpu.memory_space<semaphore_mem>>)
    %dma_wait3A_271 = arith.constant 0 : i32
    %dma_wait3A_272 = arith.constant 0 : i32
    %dma_wait3A_273 = tpu.memref_slice %arg2[%dma_wait3A_271, %dma_wait3A_272] : memref<120x2560xf32, #tpu.memory_space<hbm>> -> memref<120x2560xf32, #tpu.memory_space<hbm>>
    tpu.wait_indirect_dma semaphore(%arg23 : memref<!tpu.dma_semaphore, #tpu.memory_space<semaphore_mem>>) src(%dma_wait3A_273 : memref<120x2560xf32, #tpu.memory_space<hbm>>) dst(%arg20 : memref<16x2560xf32, #tpu.memory_space<vmem>>)
    %dma_start3A_274 = arith.constant 28160 : i32
    %dma_start3A_275 = tpu.memref_slice %arg4[%mul3A_2, %dma_start3A_274] : memref<512x30720xf32, #tpu.memory_space<hbm>> -> memref<16x2560xf32, #tpu.memory_space<hbm>>
    %dma_start3A_276 = arith.constant 28160 : i32
    %dma_start3A_277 = tpu.memref_slice %arg4[%mul3A_2, %dma_start3A_276] : memref<512x30720xf32, #tpu.memory_space<hbm>> -> memref<16x2560xf32, #tpu.memory_space<hbm>>
    tpu.enqueue_dma source(%arg20 : memref<16x2560xf32, #tpu.memory_space<vmem>>) target(%dma_start3A_277 : memref<16x2560xf32, #tpu.memory_space<hbm>>) target_semaphore(%arg26 : memref<!tpu.dma_semaphore, #tpu.memory_space<semaphore_mem>>)
    %dma_wait3A_278 = arith.constant 23040 : i32
    %dma_wait3A_279 = tpu.memref_slice %arg4[%mul3A_2, %dma_wait3A_278] : memref<512x30720xf32, #tpu.memory_space<hbm>> -> memref<16x2560xf32, #tpu.memory_space<hbm>>
    %dma_wait3A_280 = arith.constant 23040 : i32
    %dma_wait3A_281 = tpu.memref_slice %arg4[%mul3A_2, %dma_wait3A_280] : memref<512x30720xf32, #tpu.memory_space<hbm>> -> memref<16x2560xf32, #tpu.memory_space<hbm>>
    tpu.wait_dma2 semaphore(%arg24 : memref<!tpu.dma_semaphore, #tpu.memory_space<semaphore_mem>>) src(%arg18 : memref<16x2560xf32, #tpu.memory_space<vmem>>) dst(%dma_wait3A_281 : memref<16x2560xf32, #tpu.memory_space<hbm>>)
    %dma_wait3A_282 = arith.constant 25600 : i32
    %dma_wait3A_283 = tpu.memref_slice %arg4[%mul3A_2, %dma_wait3A_282] : memref<512x30720xf32, #tpu.memory_space<hbm>> -> memref<16x2560xf32, #tpu.memory_space<hbm>>
    %dma_wait3A_284 = arith.constant 25600 : i32
    %dma_wait3A_285 = tpu.memref_slice %arg4[%mul3A_2, %dma_wait3A_284] : memref<512x30720xf32, #tpu.memory_space<hbm>> -> memref<16x2560xf32, #tpu.memory_space<hbm>>
    tpu.wait_dma2 semaphore(%arg25 : memref<!tpu.dma_semaphore, #tpu.memory_space<semaphore_mem>>) src(%arg19 : memref<16x2560xf32, #tpu.memory_space<vmem>>) dst(%dma_wait3A_285 : memref<16x2560xf32, #tpu.memory_space<hbm>>)
    %dma_wait3A_286 = arith.constant 28160 : i32
    %dma_wait3A_287 = tpu.memref_slice %arg4[%mul3A_2, %dma_wait3A_286] : memref<512x30720xf32, #tpu.memory_space<hbm>> -> memref<16x2560xf32, #tpu.memory_space<hbm>>
    %dma_wait3A_288 = arith.constant 28160 : i32
    %dma_wait3A_289 = tpu.memref_slice %arg4[%mul3A_2, %dma_wait3A_288] : memref<512x30720xf32, #tpu.memory_space<hbm>> -> memref<16x2560xf32, #tpu.memory_space<hbm>>
    tpu.wait_dma2 semaphore(%arg26 : memref<!tpu.dma_semaphore, #tpu.memory_space<semaphore_mem>>) src(%arg20 : memref<16x2560xf32, #tpu.memory_space<vmem>>) dst(%dma_wait3A_289 : memref<16x2560xf32, #tpu.memory_space<hbm>>)
    return
  }
}

module attributes {stable_mosaic.version = 14 : i64} {
  func.func @_table_body(%arg0: memref<10x2x1x20x768xf32, #tpu.memory_space<vmem>>, %arg1: memref<768x800xf32, #tpu.memory_space<vmem>>, %arg2: memref<800xf32, #tpu.memory_space<vmem>>, %arg3: memref<800x768xf32, #tpu.memory_space<vmem>>, %arg4: memref<768xf32, #tpu.memory_space<vmem>>, %arg5: memref<768x800xf32, #tpu.memory_space<vmem>>, %arg6: memref<800xf32, #tpu.memory_space<vmem>>, %arg7: memref<800x768xf32, #tpu.memory_space<vmem>>, %arg8: memref<768xf32, #tpu.memory_space<vmem>>, %arg9: memref<10x40x768xf32, #tpu.memory_space<vmem>>) attributes {dimension_semantics = [], scalar_prefetch = 0 : i64, scratch_operands = 0 : i64, tpu.core_type = #tpu.core_type<tc>} {
    %get3A = arith.constant 0 : index
    %get3A_0 = arith.constant 0 : index
    %get3A_1 = arith.constant 0 : index
    %get3A_2 = arith.constant 0 : index
    %get3A_3 = arith.constant 0 : index
    %get3A_4 = vector.load %arg0[%get3A, %get3A_0, %get3A_1, %get3A_2, %get3A_3] : memref<10x2x1x20x768xf32, #tpu.memory_space<vmem>>, vector<10x1x1x20x768xf32>
    %get3A_5 = vector.shape_cast %get3A_4 : vector<10x1x1x20x768xf32> to vector<10x20x768xf32>
    %reshape3A = vector.shape_cast %get3A_5 : vector<10x20x768xf32> to vector<200x768xf32>
    %get3A_6 = arith.constant 0 : index
    %get3A_7 = arith.constant 0 : index
    %get3A_8 = vector.load %arg1[%get3A_6, %get3A_7] : memref<768x800xf32, #tpu.memory_space<vmem>>, vector<768x800xf32>
    %dot_general3A = arith.constant dense<0.000000e+00> : vector<200x800xf32>
    %dot_general3A_9 = tpu.matmul %reshape3A, %get3A_8, %dot_general3A {dimension_numbers = #tpu.dot_dimension_numbers<[1], [0], [0], [1], [0, 0, 1, 1], [], []>, transpose_lhs_hint = false} : vector<200x768xf32>, vector<768x800xf32>, vector<200x800xf32> -> vector<200x800xf32>
    %get3A_10 = arith.constant 0 : index
    %get3A_11 = vector.load %arg2[%get3A_10] : memref<800xf32, #tpu.memory_space<vmem>>, vector<800xf32>
    %broadcast_in_dim3A = vector.shape_cast %get3A_11 : vector<800xf32> to vector<1x800xf32>
    %add3A = vector.broadcast %broadcast_in_dim3A : vector<1x800xf32> to vector<200x800xf32>
    %add3A_12 = arith.addf %dot_general3A_9, %add3A : vector<200x800xf32>
    %max3A = arith.constant 0.000000e+00 : f32
    %max3A_13 = vector.broadcast %max3A : f32 to vector<200x800xf32>
    %max3A_14 = arith.maximumf %add3A_12, %max3A_13 : vector<200x800xf32>
    %get3A_15 = arith.constant 0 : index
    %get3A_16 = arith.constant 0 : index
    %get3A_17 = vector.load %arg3[%get3A_15, %get3A_16] : memref<800x768xf32, #tpu.memory_space<vmem>>, vector<800x768xf32>
    %dot_general3A_18 = arith.constant dense<0.000000e+00> : vector<200x768xf32>
    %dot_general3A_19 = tpu.matmul %max3A_14, %get3A_17, %dot_general3A_18 {dimension_numbers = #tpu.dot_dimension_numbers<[1], [0], [0], [1], [0, 0, 1, 1], [], []>, transpose_lhs_hint = false} : vector<200x800xf32>, vector<800x768xf32>, vector<200x768xf32> -> vector<200x768xf32>
    %add3A_20 = arith.addf %reshape3A, %dot_general3A_19 : vector<200x768xf32>
    %get3A_21 = arith.constant 0 : index
    %get3A_22 = vector.load %arg4[%get3A_21] : memref<768xf32, #tpu.memory_space<vmem>>, vector<768xf32>
    %broadcast_in_dim3A_23 = vector.shape_cast %get3A_22 : vector<768xf32> to vector<1x768xf32>
    %add3A_24 = vector.broadcast %broadcast_in_dim3A_23 : vector<1x768xf32> to vector<200x768xf32>
    %add3A_25 = arith.addf %add3A_20, %add3A_24 : vector<200x768xf32>
    %reshape3A_26 = vector.shape_cast %add3A_25 : vector<200x768xf32> to vector<10x20x768xf32>
    %swap3A = arith.constant 0 : index
    %swap3A_27 = arith.constant 0 : index
    %swap3A_28 = arith.constant 0 : index
    %swap3A_29 = vector.load %arg9[%swap3A, %swap3A_27, %swap3A_28] : memref<10x40x768xf32, #tpu.memory_space<vmem>>, vector<10x20x768xf32>
    tpu.vector_store %arg9[%swap3A, %swap3A_27, %swap3A_28], %reshape3A_26 {strides = array<i32>} : memref<10x40x768xf32, #tpu.memory_space<vmem>>, vector<10x20x768xf32>,
    %get3A_30 = arith.constant 0 : index
    %get3A_31 = arith.constant 1 : index
    %get3A_32 = arith.constant 0 : index
    %get3A_33 = arith.constant 0 : index
    %get3A_34 = arith.constant 0 : index
    %get3A_35 = vector.load %arg0[%get3A_30, %get3A_31, %get3A_32, %get3A_33, %get3A_34] : memref<10x2x1x20x768xf32, #tpu.memory_space<vmem>>, vector<10x1x1x20x768xf32>
    %get3A_36 = vector.shape_cast %get3A_35 : vector<10x1x1x20x768xf32> to vector<10x20x768xf32>
    %reshape3A_37 = vector.shape_cast %get3A_36 : vector<10x20x768xf32> to vector<200x768xf32>
    %get3A_38 = arith.constant 0 : index
    %get3A_39 = arith.constant 0 : index
    %get3A_40 = vector.load %arg5[%get3A_38, %get3A_39] : memref<768x800xf32, #tpu.memory_space<vmem>>, vector<768x800xf32>
    %dot_general3A_41 = arith.constant dense<0.000000e+00> : vector<200x800xf32>
    %dot_general3A_42 = tpu.matmul %reshape3A_37, %get3A_40, %dot_general3A_41 {dimension_numbers = #tpu.dot_dimension_numbers<[1], [0], [0], [1], [0, 0, 1, 1], [], []>, transpose_lhs_hint = false} : vector<200x768xf32>, vector<768x800xf32>, vector<200x800xf32> -> vector<200x800xf32>
    %get3A_43 = arith.constant 0 : index
    %get3A_44 = vector.load %arg6[%get3A_43] : memref<800xf32, #tpu.memory_space<vmem>>, vector<800xf32>
    %broadcast_in_dim3A_45 = vector.shape_cast %get3A_44 : vector<800xf32> to vector<1x800xf32>
    %add3A_46 = vector.broadcast %broadcast_in_dim3A_45 : vector<1x800xf32> to vector<200x800xf32>
    %add3A_47 = arith.addf %dot_general3A_42, %add3A_46 : vector<200x800xf32>
    %max3A_48 = arith.constant 0.000000e+00 : f32
    %max3A_49 = vector.broadcast %max3A_48 : f32 to vector<200x800xf32>
    %max3A_50 = arith.maximumf %add3A_47, %max3A_49 : vector<200x800xf32>
    %get3A_51 = arith.constant 0 : index
    %get3A_52 = arith.constant 0 : index
    %get3A_53 = vector.load %arg7[%get3A_51, %get3A_52] : memref<800x768xf32, #tpu.memory_space<vmem>>, vector<800x768xf32>
    %dot_general3A_54 = arith.constant dense<0.000000e+00> : vector<200x768xf32>
    %dot_general3A_55 = tpu.matmul %max3A_50, %get3A_53, %dot_general3A_54 {dimension_numbers = #tpu.dot_dimension_numbers<[1], [0], [0], [1], [0, 0, 1, 1], [], []>, transpose_lhs_hint = false} : vector<200x800xf32>, vector<800x768xf32>, vector<200x768xf32> -> vector<200x768xf32>
    %add3A_56 = arith.addf %reshape3A_37, %dot_general3A_55 : vector<200x768xf32>
    %get3A_57 = arith.constant 0 : index
    %get3A_58 = vector.load %arg8[%get3A_57] : memref<768xf32, #tpu.memory_space<vmem>>, vector<768xf32>
    %broadcast_in_dim3A_59 = vector.shape_cast %get3A_58 : vector<768xf32> to vector<1x768xf32>
    %add3A_60 = vector.broadcast %broadcast_in_dim3A_59 : vector<1x768xf32> to vector<200x768xf32>
    %add3A_61 = arith.addf %add3A_56, %add3A_60 : vector<200x768xf32>
    %reshape3A_62 = vector.shape_cast %add3A_61 : vector<200x768xf32> to vector<10x20x768xf32>
    %swap3A_63 = arith.constant 0 : index
    %swap3A_64 = arith.constant 20 : index
    %swap3A_65 = arith.constant 0 : index
    %swap3A_66 = vector.load %arg9[%swap3A_63, %swap3A_64, %swap3A_65] : memref<10x40x768xf32, #tpu.memory_space<vmem>>, vector<10x20x768xf32>
    tpu.vector_store %arg9[%swap3A_63, %swap3A_64, %swap3A_65], %reshape3A_62 {strides = array<i32>} : memref<10x40x768xf32, #tpu.memory_space<vmem>>, vector<10x20x768xf32>,
    return
  }
}

</mosaic_0001>

<sc_bundles>
// kernel: kernel.4.cloned.1.call-start
scs
__scs_entry_jumppad:
0x0: {  	(pc) =	sbr.rel $0x88, $3  }
0x1: {  	(tag) =	ssettag $0x0;
	lr =	simm.s32 $0x1  }
0x2: {  	[smem:$0x3F97] =	sst lr;
	_ =	strace $0xD0000000  }
0x3: {  	_ = 	snop  }
0x4: {  	_ = 	snop  }
0x5: {  	_ = 	snop  }
0x6: {  	_ = 	snop  }
0x7: {  	_ = 	snop  }
__scs_overlays_trampoline_lowered:
0x8: {  	[smem:$0x3FA6] =	sst s0  }
0x9: {  	[smem:$0x3FA7] =	sst s1  }
0xa: {  	[smem:$0x3FA8] =	sst s2  }
0xb: {  	[smem:$0x3FA9] =	sst s3  }
0xc: {  	[smem:$0x3FAA] =	sst s4  }
0xd: {  	[smem:$0x3FAB] =	sst s5  }
0xe: {  	[smem:$0x3FAC] =	sst s6  }
0xf: {  	[smem:$0x3FAD] =	sst s7  }
0x10: {  	[smem:$0x3FAE] =	sst s8  }
0x11: {  	[smem:$0x3FAF] =	sst s9;
	s0 =	simm.s32 @!p0 $0x0  }
0x12: {  	s1 =	sld [smem:$0x3F95];
	s0 =	simm.s32 @p0 $0x1  }
0x13: {  	[smem:$0x3FB0] =	sst s0;
	s0 =	simm.s32 @!p1 $0x0  }
0x14: {  	s2 =	sld [smem:$0x3F94];
	s0 =	simm.s32 @p1 $0x1  }
0x15: {  	[smem:$0x3FB1] =	sst s0;
	s0 =	simm.s32 @!p2 $0x0  }
0x16: {  	s3 =	sld [smem:$0x3FDB];
	s0 =	simm.s32 @p2 $0x1  }
0x17: {  	s4 =	simm.s32 $0x1BF5;
	[smem:$0x3FB3] =	sst s0  }
0x18: {  	s0 =	sld [smem:$0x3F96];
	_ =	swait.ge [sflag:s4], $0x0  }
0x19: {  	s7 =	sld [smem:$0x3F97]  }
0x1a: {  	s8 =	sadd.s32 $0xFFFFE003, lr  }
0x1b: {  	s9 =	sadd.s32 $0xFFFFFEF7, lr;
	s5 =	simm.s32 $0xFFFFFFFF;
	p2 =	slt.u32 s8, $0xFFFFF086  }
0x1c: {  	p1 =	slt.u32 s9, $0xF7A;
	s5 =	simm.s32 @!p2 $0x0  }
0x1d: {  	s5 =	simm.s32 @p1 $0x1;
	p0 =	seq.s32 s7, s2  }
0x1e: {  	s7 =	smul.u32 @!p0 $0xF7A, s2;
	p2 =	seq.s32 @!p0 s5, $0x0  }
0x1f: {  	s9 =	smul.u32 $0xF7A, s1;
	s8 =	simm.s32 @!p0 $0x1BF5;
	p2 =	por !p2, p0  }
0x20: {  	[sflag:s8] =	ssyncset.s32 @!p0 $0xFFFFF086;
	s6 =	sadd.s32 @!p0 s3, s7;
	s7 =	simm.s32 @!p0 $0x108  }
0x21: {  	s3 =	sadd.s32 s3, s9;
	s6 =	sadd.s32 @!p0 $0x88, s6;
	s7 =	simm.s32 @p2 $0x1082  }
0x22: {  	[simem:s7], [sflag:s8] =	dma.local @!p0 [hbm:s6], $0xF7A  }
0x23: {  	s9 =	sor.u32 $0xD0000000, s2;
	s6 =	simm.s32 $0x108;
	_ =	swait.ge @!p0 [sflag:s8], $0x0  }
0x24: {  	s3 =	sadd.s32 $0x88, s3;
	s6 =	simm.s32 @!p1 $0x1082;
	[sflag:s4] =	ssyncset.s32 $0xFFFFF086  }
0x25: {  	[simem:s6], [sflag:s4] =	dma.local [hbm:s3], $0xF7A  }
0x26: {  	[smem:$0x3F97] =	sst s1;
	(tag) =	ssettag s2;
	_ =	strace s9  }
0x27: {  	s1 =	sld [smem:$0x3FA7]  }
0x28: {  	s2 =	sld [smem:$0x3FA8]  }
0x29: {  	s4 =	sld [smem:$0x3FAA]  }
0x2a: {  	p0 =	seq.s32 s5, $0x0;
	s5 =	sld [smem:$0x3FAB]  }
0x2b: {  	s6 =	sld [smem:$0x3FAC]  }
0x2c: {  	s7 =	sld [smem:$0x3FAD]  }
0x2d: {  	s3 =	simm.s32 $0x108;
	s8 =	sld [smem:$0x3FAE]  }
0x2e: {  	s3 =	simm.s32 @!p0 $0x1082;
	s9 =	sld [smem:$0x3FAF]  }
0x2f: {  	lr =	sadd.s32 s0, s3;
	s0 =	sld [smem:$0x3FA6]  }
0x30: {  	s3 =	sld [smem:$0x3FA9]  }
0x31: {  	[smem:$0x3FB2] =	sst s10  }
0x32: {  	s10 =	sld [smem:$0x3FB0];
	_ =	sdelay $0x3  }
0x33: {  	p0 =	seq.s32 s10, $0x1;
	s10 =	sld [smem:$0x3FB2];
	_ =	sdelay $0x3  }
0x34: {  	[smem:$0x3FB2] =	sst s10  }
0x35: {  	s10 =	sld [smem:$0x3FB1];
	_ =	sdelay $0x3  }
0x36: {  	p1 =	seq.s32 s10, $0x1;
	s10 =	sld [smem:$0x3FB2];
	_ =	sdelay $0x3  }
0x37: {  	[smem:$0x3FB2] =	sst s10  }
0x38: {  	s10 =	sld [smem:$0x3FB3]  }
0x39: {  	_ = 	snop;
	(pc) =	sbr.ind lr, $3  }
0x3a: {  	_ = 	snop  }
0x3b: {  	_ = 	snop  }
0x3c: {  	p2 =	seq.s32 s10, $0x1;
	s10 =	sld [smem:$0x3FB2]  }
0x3d: {  	_ =	shalt  }
0x3e: {  	_ =	shalt  }
0x3f: {  	_ =	shalt  }
0x40: {  	_ =	shalt  }
0x41: {  	_ =	shalt  }
0x42: {  	_ =	shalt  }
0x43: {  	_ =	shalt  }
0x44: {  	_ =	shalt  }
0x45: {  	_ =	shalt  }
0x46: {  	_ =	shalt  }
0x47: {  	_ =	shalt  }
0x48: {  	_ =	shalt  }
0x49: {  	_ =	shalt  }
0x4a: {  	_ =	shalt  }
0x4b: {  	_ =	shalt  }
0x4c: {  	_ =	shalt  }
0x4d: {  	_ =	shalt  }
0x4e: {  	_ =	shalt  }
0x4f: {  	_ =	shalt  }
0x50: {  	_ =	shalt  }
0x51: {  	_ =	shalt  }
0x52: {  	_ =	shalt  }
0x53: {  	_ =	shalt  }
0x54: {  	_ =	shalt  }
0x55: {  	_ =	shalt  }
0x56: {  	_ =	shalt  }
0x57: {  	_ =	shalt  }
0x58: {  	_ =	shalt  }
0x59: {  	_ =	shalt  }
0x5a: {  	_ =	shalt  }
0x5b: {  	_ =	shalt  }
0x5c: {  	_ =	shalt  }
0x5d: {  	_ =	shalt  }
0x5e: {  	_ =	shalt  }
0x5f: {  	_ =	shalt  }
0x60: {  	_ =	shalt  }
0x61: {  	_ =	shalt  }
0x62: {  	_ =	shalt  }
0x63: {  	_ =	shalt  }
0x64: {  	_ =	shalt  }
0x65: {  	_ =	shalt  }
0x66: {  	_ =	shalt  }
0x67: {  	_ =	shalt  }
0x68: {  	_ =	shalt  }
0x69: {  	_ =	shalt  }
0x6a: {  	_ =	shalt  }
0x6b: {  	_ =	shalt  }
0x6c: {  	_ =	shalt  }
0x6d: {  	_ =	shalt  }
0x6e: {  	_ =	shalt  }
0x6f: {  	_ =	shalt  }
0x70: {  	_ =	shalt  }
0x71: {  	_ =	shalt  }
0x72: {  	_ =	shalt  }
0x73: {  	_ =	shalt  }
0x74: {  	_ =	shalt  }
0x75: {  	_ =	shalt  }
0x76: {  	_ =	shalt  }
0x77: {  	_ =	shalt  }
0x78: {  	_ =	shalt  }
0x79: {  	_ =	shalt  }
0x7a: {  	_ =	shalt  }
0x7b: {  	_ =	shalt  }
0x7c: {  	_ =	shalt  }
0x7d: {  	_ =	shalt  }
0x7e: {  	_ =	shalt  }
0x7f: {  	_ =	shalt  }
0x80: {  	_ =	shalt  }
0x81: {  	_ =	shalt  }
0x82: {  	_ =	shalt  }
0x83: {  	_ =	shalt  }
0x84: {  	_ =	shalt  }
0x85: {  	_ =	shalt  }
0x86: {  	_ =	shalt  }
0x87: {  	_ =	shalt  }
.Lfunc_end0:
.L_simem_size_0:
called_computation_lowered:
.L_overlay_start_0:
0x88: {  	s2 =	sld [smem:$0x3FD9]  }
0x89: {  	s3 =	sld [smem:$0x3FFE];
	_ =	sdelay $0x1  }
0x8a: {  	s1 =	srdreg.scid  }
0x8b: {  	s0 =	sand.u32 $0x1, s1  }
0x8c: {  	s14 =	sshll.u32 s0, $0xA;
	s2 =	sadd.s32 s3, s2  }
0x8d: {  	s2 =	sadd.s32 s2, s14  }
0x8e: {  	[smem:$0x3FBE] =	sst s2  }
0x8f: {  	_ = 	snop  }
0x90: {  	s2 =	sld [smem:$0x3FD0];
	_ =	sdelay $0x2  }
0x91: {  	s4 =	simm.s32 $0xA;
	s5 =	simm.s32 $0x10;
	s15 =	sld [smem:$0x3FC0]  }
0x92: {  	[smem:s5], [sflag:s4] =	dma.local [hbm:s2], $0x1  }
0x93: {  	_ =	swait.eq [sflag:s4], $0x1  }
0x94: {  	[sflag:s4] =	ssyncset.done $0x0  }
0x95: {  	[sflag:s4] =	ssyncadd.s32 $0xFFFFFFFF  }
0x96: {  	s16 =	sld [smem:$0x11];
	(tm) =	ssettm $0x1  }
0x97: {  	s17 =	sld [smem:$0x3FFB];
	_ =	sdelay $0x3  }
0x98: {  	_ =	strace s17  }
0x99: {  	s4 =	sld [smem:$0x3FFC];
	_ =	sdelay $0x3  }
0x9a: {  	_ =	strace s4  }
0x9b: {  	s4 =	sld [smem:$0x3FFD];
	_ =	sdelay $0x3  }
0x9c: {  	_ =	strace s4  }
0x9d: {  	_ =	strace $0x8FFFFFFF  }
0x9e: {  	s18 =	sld [smem:$0x3FDB];
	_ =	sdelay $0x1  }
0x9f: {  	s19 =	simm.s32 $_scs_section_size  }
0xa0: {  	s6 =	simm.s32 $_size__tile_overlayer_lowered;
	s7 =	simm.s32 $_tile_overlayer_lowered  }
0xa1: {  	s22 =	simm.s32 $0x1BFF;
	s21 =	sshll.u32 s7, $0x1;
	s4 =	sadd.s32 s19, s18  }
0xa2: {  	s8 =	simm.s32 $0x0;
	s20 =	sshll.u32 s6, $0x1;
	s6 =	sadd.s32 s21, s4  }
0xa3: {  	[timem:s8], [sflag:s22] =	dma.local [hbm:s6], s20  }
0xa4: {  	_ =	swait.ge [sflag:s22], s20  }
0xa5: {  	s5 =	ssub.s32 $0x0, s20;
	[sflag:s22] =	ssyncset.done $0x0  }
0xa6: {  	[sflag:s22] =	ssyncadd.s32 s5;
	_ =	sdelay $0x1  }
0xa7: {  	s23 =	simm.s32 $0x1B8B  }
0xa8: {  	_ =	swait.ge [sflag:s23], $0x1  }
0xa9: {  	[sflag:s23] =	ssyncset.done $0x0  }
0xaa: {  	s25 =	simm.s32 $0x1B8E;
	s24 =	sld [smem:$0x3FFE];
	[sflag:s23] =	ssyncadd.s32 $0xFFFFFFFF  }
0xab: {  	s26 =	simm.s32 $execute0_lowered;
	[smem:$0x3FD2] =	sst s25  }
0xac: {  	s6 =	sshll.u32 s26, $0x1;
	_ =	strace $0x80000046;
	[dreg:$0x1] =	wrdreg $0xFFFFFFFF  }
0xad: {  	s28 =	simm.s32 $_size_execute0_lowered;
	s4 =	sadd.s32 s4, s6;
	[dreg:$0x0] =	wrdreg $0x0  }
0xae: {  	s6 =	sshll.u32 s28, $0x1;
	[dreg:$0x2] =	wrdreg s4  }
0xaf: {  	[dreg:$0x3] =	wrdreg s6  }
0xb0: {  	[dreg:$0x4] =	wrdreg $0xC0  }
0xb1: {  	_ =	task [dreg:s8], $0x5FFFF  }
0xb2: {  	[dreg:$0x1] =	wrdreg $0xFFFFFFFF  }
0xb3: {  	[dreg:$0x0] =	wrdreg $0x60  }
0xb4: {  	[dreg:$0x2] =	wrdreg s16  }
0xb5: {  	[dreg:$0x3] =	wrdreg s15  }
0xb6: {  	[dreg:$0x4] =	wrdreg s24  }
0xb7: {  	[dreg:$0x5] =	wrdreg $0x9  }
0xb8: {  	_ =	task.clear_ibuf [dreg:s8], $0x6FFFF;
	_ =	strace $0x90000046  }
0xb9: {  	s29 =	simm.s32 $0x9;
	_ =	strace $0x80000048  }
0xba: {  	_ =	swait.ge [sflag:s29], $0x1  }
0xbb: {  	[sflag:s29] =	ssyncadd.s32 $0xFFFFFFFF  }
0xbc: {  	_ =	strace $0x90000048  }
0xbd: {  	_ =	sfence  }
0xbe: {  	s30 =	sld [smem:$0x0];
	_ =	sdelay $0x2  }
0xbf: {  	s31 =	sshll.u32 s1, $0xD;
	s1 =	sshrl.u32 s1, $0x2  }
0xc0: {  	s3 =	sand.u32 $0x4000, s31;
	s1 =	sadd.s32 s1, s30  }
0xc1: {  	s0 =	sor.u32 s3, s0;
	s1 =	sshll.u32 s1, $0x11  }
0xc2: {  	s0 =	sor.u32 s1, s0  }
0xc3: {  	s0 =	sadd.s32 $0x8F2B, s0  }
0xc4: {  	[sflag:s0] =	ssyncadd.remote.s32 $0x1  }
0xc5: {  	_ =	sfence.sel $0xFFFF  }
0xc6: {  	[dreg:$0x0] =	wrdreg $0xFFFFFFFF;
	(pc) =	sbr.abs _section_cstart, $3  }
0xc7: {  	[dreg:$0x1] =	wrdreg $0xFFFFFFFF  }
0xc8: {  	_ =	task.clear_ibuf [dreg:s8], $0x2FFFF;
	_ =	strace $0x9FFFFFFF  }
0xc9: {  	(tm) =	ssettm $0x7FFFFFFF  }
tec
execute0_lowered:
.L_overlay_start_1:
0x0: {  	(tag) =	ssettag $0x1  }
0x1: {  	s0 =	srdreg.scid  }
0x2: {  	s2 =	stileid.u32;
	s0 =	sand.u32 $0x1, s0  }
0x3: {  	s1 =	rddreg [dreg:$0x0];
	s2 =	sshll.u32 s2, $0x2;
	s3 =	sshll.u32 s0, $0x1  }
0x4: {  	s4 =	rddreg [dreg:$0x1];
	s2 =	sor.u32 s3, s2  }
0x5: {  	s5 =	rddreg [dreg:$0x2];
	s31 =	simm.s32 $0x2;
	s6 =	smul.u32 $0x3C000, s2  }
0x6: {  	s14 =	simm.s32 $0x5;
	s16 =	simm.s32 $0x6;
	s7 =	sadd.s32 $0x400, s1  }
0x7: {  	s8 =	sadd.s32 $0x500, s1;
	s3 =	simm.s32 $0x0;
	s6 =	sshrl.u32 s6, $0x3  }
0x8: {  	[smem:$0x7FF] =	sst s3;
	s2 =	sadd.s32 s4, s2;
	s12 =	sadd.s32 s6, s5  }
0x9: {  	_ =	strace $0x80000047;
	[dreg:$0x4] =	wrdreg s2;
	s17 =	sadd.s32 $0x1600, s12  }
0xa: {  	s9 =	sadd.s32 $0x600, s1;
	s18 =	sadd.s32 $0x2000, s12;
	[dreg:$0x5] =	wrdreg s17  }
0xb: {  	s10 =	sadd.s32 $0x700, s1;
	s20 =	sadd.s32 $0x2A00, s12;
	[dreg:$0x6] =	wrdreg s18  }
0xc: {  	s11 =	sadd.s32 $0x800, s1;
	s21 =	sadd.s32 $0x3400, s12;
	[dreg:$0x7] =	wrdreg s20  }
0xd: {  	s0 =	ssub.s32 $0x2, s0;
	s22 =	sadd.s32 $0x3E00, s12;
	[dreg:$0x8] =	wrdreg s21  }
0xe: {  	s19 =	sshrl.u32 s0, $0x1;
	s23 =	sadd.s32 $0x4800, s12;
	[dreg:$0x9] =	wrdreg s22  }
0xf: {  	s0 =	ssub.s32 s0, s19;
	s24 =	sadd.s32 $0x5200, s12;
	[dreg:$0xa] =	wrdreg s23  }
0x10: {  	s4 =	sadd.s32 $0x100, s1;
	s25 =	sadd.s32 $0x5C00, s12;
	[dreg:$0xb] =	wrdreg s24  }
0x11: {  	s13 =	smax.u32 s0, $0x1;
	s26 =	sadd.s32 $0x6600, s12;
	[dreg:$0xc] =	wrdreg s25  }
0x12: {  	s2 =	simm.s32 $0x4;
	s28 =	sadd.s32 $0x7000, s12;
	[dreg:$0xd] =	wrdreg s26  }
0x13: {  	s0 =	simm.s32 $0x3;
	s29 =	sadd.s32 $0x7A00, s12;
	[dreg:$0xe] =	wrdreg s28  }
0x14: {  	v2 =	vlaneseq.u32;
	s5 =	sadd.s32 $0x200, s1;
	s30 =	sadd.s32 $0x8400, s12;
	[dreg:$0xf] =	wrdreg s29  }
0x15: {  	vm0 =	vmmov $0xffff;
	v1 =	vshrl.u32 v2, $0x3;
	s6 =	sadd.s32 $0x300, s1;
	s12 =	sadd.s32 $0x900, s1;
	[dreg:$0x10] =	wrdreg s30  }
0x16: {  	v0 =	vand.u32 $0x7, v2;
	v2 =	vor.u32 $0x8, v2;
	v1 =	vmul.u32 $0x8, v1;
	s23 =	simm.s32 $0x1;
	s21 =	simm.s32 $0x5000;
	s22 =	simm.s32 $0x3C000  }
.LBB2_1:
0x17: {  	s18 =	rddreg [dreg:$0x4];
	s20 =	simm.s32 $0x7  }
0x18: {  	[tilespmem:s3], [sflag:$0x7] =	stream.linear.gather [hbm4b:s18+s3], $0x10, $0x38;
	[tilespmem:$0x1E680] =	vst v63  }
0x19: {  	_ =	swait.ge [sflag:s20], $0x10  }
0x1a: {  	[sflag:s20] =	ssyncset.done $0x0  }
0x1b: {  	[sflag:s20] =	ssyncadd.s32 $0xFFFFFFF0  }
0x1c: {  	v3 =	vld [tilespmem:$0x0];
	_ =	sdelay $0x4  }
0x1d: {  	v3 =	vmul.u32 $0xC, v3;
	_ =	sdelay $0x1  }
0x1e: {  	[tilespmem:$0x80] =	vst v3  }
0x1f: {  	v4 =	vld [tilespmem:$0x80];
	_ =	sdelay $0x3  }
0x20: {  	v5 =	vor.u32 $0x1, v3  }
0x21: {  	v44 =	vor.u32 $0x2, v3;
	[tilespmem:$0x100] =	vst v5;
	v6 =	vshrl.u32 v4, $0x3  }
0x22: {  	v45 =	vor.u32 $0x3, v3;
	[tilespmem:$0x180] =	vst v44;
	v6 =	vmul.u32 $0xA0, v6  }
0x23: {  	v46 =	vadd.s32 $0x4, v3;
	[tilespmem:$0x200] =	vst v45;
	v4 =	vand.u32 $0x7, v4  }
0x24: {  	v47 =	vadd.s32 $0x5, v3;
	[tilespmem:$0x280] =	vst v46;
	v4 =	vor.u32 v4, v6  }
0x25: {  	v48 =	vadd.s32 $0x6, v3;
	[tilespmem:$0x300] =	vst v47;
	v6 =	vperm.xlane v4, v0  }
0x26: {  	v49 =	vadd.s32 $0x7, v3;
	[tilespmem:$0x380] =	vst v48  }
0x27: {  	v50 =	vadd.s32 $0x8, v3;
	[tilespmem:$0x400] =	vst v49;
	v6 =	vadd.s32 v1, v6  }
0x28: {  	v51 =	vadd.s32 $0x9, v3;
	[tilespmem:$0x480] =	vst v50  }
0x29: {  	v52 =	vadd.s32 $0xA, v3;
	[tilespmem:$0x500] =	vst v51  }
0x2a: {  	v3 =	vadd.s32 $0xB, v3;
	[tilespmem:$0x580] =	vst v52  }
0x2b: {  	s15 =	simm.s32 $0x680;
	[tilespmem:$0x600] =	vst v3  }
0x2c: {  	[tilespmem:s15], [sflag:$0x1] =	stream.indirect_vreg.gather [hbm4b:s1+s3], $0x80, v6, vm0, $0xb8;
	[tilespmem:$0x1E680] =	vst v63  }
0x2d: {  	s24 =	simm.s32 $0xE80  }
0x2e: {  	[tilespmem:s24], [sflag:$0x1] =	stream.indirect_vreg.gather [hbm4b:s4+s3], $0x80, v6, vm0, $0xb8;
	[tilespmem:$0x1E680] =	vst v63  }
0x2f: {  	s25 =	simm.s32 $0x1680  }
0x30: {  	[tilespmem:s25], [sflag:$0x1] =	stream.indirect_vreg.gather [hbm4b:s5+s3], $0x80, v6, vm0, $0xb8;
	[tilespmem:$0x1E680] =	vst v63  }
0x31: {  	s26 =	simm.s32 $0x1E80  }
0x32: {  	[tilespmem:s26], [sflag:$0x1] =	stream.indirect_vreg.gather [hbm4b:s6+s3], $0x80, v6, vm0, $0xb8;
	[tilespmem:$0x1E680] =	vst v63  }
0x33: {  	s28 =	simm.s32 $0x2680  }
0x34: {  	[tilespmem:s28], [sflag:$0x1] =	stream.indirect_vreg.gather [hbm4b:s7+s3], $0x80, v6, vm0, $0xb8;
	[tilespmem:$0x1E680] =	vst v63  }
0x35: {  	s29 =	simm.s32 $0x2E80  }
0x36: {  	[tilespmem:s29], [sflag:$0x1] =	stream.indirect_vreg.gather [hbm4b:s8+s3], $0x80, v6, vm0, $0xb8;
	[tilespmem:$0x1E680] =	vst v63  }
0x37: {  	s30 =	simm.s32 $0x3680  }
0x38: {  	[tilespmem:s30], [sflag:$0x1] =	stream.indirect_vreg.gather [hbm4b:s9+s3], $0x80, v6, vm0, $0xb8;
	[tilespmem:$0x1E680] =	vst v63  }
0x39: {  	s17 =	simm.s32 $0x3E80;
	v3 =	vperm.xlane v4, v2  }
0x3a: {  	[tilespmem:s17], [sflag:$0x1] =	stream.indirect_vreg.gather [hbm4b:s10+s3], $0x80, v6, vm0, $0xb8;
	[tilespmem:$0x1E680] =	vst v63  }
0x3b: {  	s18 =	simm.s32 $0x4680;
	v3 =	vadd.s32 v1, v3  }
0x3c: {  	[tilespmem:s18], [sflag:$0x1] =	stream.indirect_vreg.gather [hbm4b:s11+s3], $0x80, v6, vm0, $0xb8;
	[tilespmem:$0x1E680] =	vst v63  }
0x3d: {  	s19 =	simm.s32 $0x4E80  }
0x3e: {  	[tilespmem:s19], [sflag:$0x1] =	stream.indirect_vreg.gather [hbm4b:s12+s3], $0x80, v6, vm0, $0xb8;
	[tilespmem:$0x1E680] =	vst v63  }
0x3f: {  	s20 =	simm.s32 $0x5680  }
0x40: {  	[tilespmem:s20], [sflag:$0x1] =	stream.indirect_vreg.gather [hbm4b:s1+s3], $0x80, v3, vm0, $0xb8;
	[tilespmem:$0x1E680] =	vst v63  }
0x41: {  	s24 =	simm.s32 $0x5E80  }
0x42: {  	[tilespmem:s24], [sflag:$0x1] =	stream.indirect_vreg.gather [hbm4b:s4+s3], $0x80, v3, vm0, $0xb8;
	[tilespmem:$0x1E680] =	vst v63  }
0x43: {  	s25 =	simm.s32 $0x6680  }
0x44: {  	[tilespmem:s25], [sflag:$0x1] =	stream.indirect_vreg.gather [hbm4b:s5+s3], $0x80, v3, vm0, $0xb8;
	[tilespmem:$0x1E680] =	vst v63  }
0x45: {  	s29 =	simm.s32 $0x6E80  }
0x46: {  	[tilespmem:s29], [sflag:$0x1] =	stream.indirect_vreg.gather [hbm4b:s6+s3], $0x80, v3, vm0, $0xb8;
	[tilespmem:$0x1E680] =	vst v63  }
0x47: {  	s30 =	simm.s32 $0x7680  }
0x48: {  	[tilespmem:s30], [sflag:$0x1] =	stream.indirect_vreg.gather [hbm4b:s7+s3], $0x80, v3, vm0, $0xb8;
	[tilespmem:$0x1E680] =	vst v63  }
0x49: {  	s17 =	simm.s32 $0x7E80  }
0x4a: {  	[tilespmem:s17], [sflag:$0x1] =	stream.indirect_vreg.gather [hbm4b:s8+s3], $0x80, v3, vm0, $0xb8;
	[tilespmem:$0x1E680] =	vst v63  }
0x4b: {  	s18 =	simm.s32 $0x8680  }
0x4c: {  	[tilespmem:s18], [sflag:$0x1] =	stream.indirect_vreg.gather [hbm4b:s9+s3], $0x80, v3, vm0, $0xb8;
	[tilespmem:$0x1E680] =	vst v63  }
0x4d: {  	s19 =	simm.s32 $0x8E80  }
0x4e: {  	[tilespmem:s19], [sflag:$0x1] =	stream.indirect_vreg.gather [hbm4b:s10+s3], $0x80, v3, vm0, $0xb8;
	[tilespmem:$0x1E680] =	vst v63  }
0x4f: {  	s20 =	simm.s32 $0x9680  }
0x50: {  	[tilespmem:s20], [sflag:$0x1] =	stream.indirect_vreg.gather [hbm4b:s11+s3], $0x80, v3, vm0, $0xb8;
	[tilespmem:$0x1E680] =	vst v63  }
0x51: {  	s24 =	simm.s32 $0x9E80  }
0x52: {  	[tilespmem:s24], [sflag:$0x1] =	stream.indirect_vreg.gather [hbm4b:s12+s3], $0x80, v3, vm0, $0xb8;
	[tilespmem:$0x1E680] =	vst v63  }
0x53: {  	v3 =	vld [tilespmem:$0x100];
	_ =	sdelay $0x4  }
0x54: {  	v53 =	vshrl.u32 v3, $0x3  }
0x55: {  	v4 =	vmul.u32 $0xA0, v53  }
0x56: {  	v3 =	vand.u32 $0x7, v3  }
0x57: {  	v3 =	vor.u32 v3, v4  }
0x58: {  	v4 =	vperm.xlane v3, v0;
	_ =	sdelay $0x1  }
0x59: {  	v4 =	vadd.s32 v1, v4;
	_ =	sdelay $0x3  }
0x5a: {  	s25 =	simm.s32 $0xA680  }
0x5b: {  	[tilespmem:s25], [sflag:$0x2] =	stream.indirect_vreg.gather [hbm4b:s1+s3], $0x80, v4, vm0, $0xb8;
	[tilespmem:$0x1E680] =	vst v63  }
0x5c: {  	s29 =	simm.s32 $0xAE80  }
0x5d: {  	[tilespmem:s29], [sflag:$0x2] =	stream.indirect_vreg.gather [hbm4b:s4+s3], $0x80, v4, vm0, $0xb8;
	[tilespmem:$0x1E680] =	vst v63  }
0x5e: {  	s30 =	simm.s32 $0xB680  }
0x5f: {  	[tilespmem:s30], [sflag:$0x2] =	stream.indirect_vreg.gather [hbm4b:s5+s3], $0x80, v4, vm0, $0xb8;
	[tilespmem:$0x1E680] =	vst v63  }
0x60: {  	s15 =	simm.s32 $0xBE80  }
0x61: {  	[tilespmem:s15], [sflag:$0x2] =	stream.indirect_vreg.gather [hbm4b:s6+s3], $0x80, v4, vm0, $0xb8;
	[tilespmem:$0x1E680] =	vst v63  }
0x62: {  	s19 =	simm.s32 $0xC680  }
0x63: {  	[tilespmem:s19], [sflag:$0x2] =	stream.indirect_vreg.gather [hbm4b:s7+s3], $0x80, v4, vm0, $0xb8;
	[tilespmem:$0x1E680] =	vst v63  }
0x64: {  	s20 =	simm.s32 $0xCE80  }
0x65: {  	[tilespmem:s20], [sflag:$0x2] =	stream.indirect_vreg.gather [hbm4b:s8+s3], $0x80, v4, vm0, $0xb8;
	[tilespmem:$0x1E680] =	vst v63  }
0x66: {  	s24 =	simm.s32 $0xD680  }
0x67: {  	[tilespmem:s24], [sflag:$0x2] =	stream.indirect_vreg.gather [hbm4b:s9+s3], $0x80, v4, vm0, $0xb8;
	[tilespmem:$0x1E680] =	vst v63  }
0x68: {  	v3 =	vperm.xlane v3, v2;
	s25 =	simm.s32 $0xDE80  }
0x69: {  	[tilespmem:s25], [sflag:$0x2] =	stream.indirect_vreg.gather [hbm4b:s10+s3], $0x80, v4, vm0, $0xb8;
	[tilespmem:$0x1E680] =	vst v63  }
0x6a: {  	v3 =	vadd.s32 v1, v3;
	s29 =	simm.s32 $0xE680  }
0x6b: {  	[tilespmem:s29], [sflag:$0x2] =	stream.indirect_vreg.gather [hbm4b:s11+s3], $0x80, v4, vm0, $0xb8;
	[tilespmem:$0x1E680] =	vst v63  }
0x6c: {  	s30 =	simm.s32 $0xEE80  }
0x6d: {  	[tilespmem:s30], [sflag:$0x2] =	stream.indirect_vreg.gather [hbm4b:s12+s3], $0x80, v4, vm0, $0xb8;
	[tilespmem:$0x1E680] =	vst v63  }
0x6e: {  	s15 =	simm.s32 $0xF680  }
0x6f: {  	[tilespmem:s15], [sflag:$0x2] =	stream.indirect_vreg.gather [hbm4b:s1+s3], $0x80, v3, vm0, $0xb8;
	[tilespmem:$0x1E680] =	vst v63  }
0x70: {  	s19 =	simm.s32 $0xFE80  }
0x71: {  	[tilespmem:s19], [sflag:$0x2] =	stream.indirect_vreg.gather [hbm4b:s4+s3], $0x80, v3, vm0, $0xb8;
	[tilespmem:$0x1E680] =	vst v63  }
0x72: {  	s20 =	simm.s32 $0x10680  }
0x73: {  	[tilespmem:s20], [sflag:$0x2] =	stream.indirect_vreg.gather [hbm4b:s5+s3], $0x80, v3, vm0, $0xb8;
	[tilespmem:$0x1E680] =	vst v63  }
0x74: {  	s24 =	simm.s32 $0x10E80  }
0x75: {  	[tilespmem:s24], [sflag:$0x2] =	stream.indirect_vreg.gather [hbm4b:s6+s3], $0x80, v3, vm0, $0xb8;
	[tilespmem:$0x1E680] =	vst v63  }
0x76: {  	s25 =	simm.s32 $0x11680  }
0x77: {  	[tilespmem:s25], [sflag:$0x2] =	stream.indirect_vreg.gather [hbm4b:s7+s3], $0x80, v3, vm0, $0xb8;
	[tilespmem:$0x1E680] =	vst v63  }
0x78: {  	s29 =	simm.s32 $0x11E80  }
0x79: {  	[tilespmem:s29], [sflag:$0x2] =	stream.indirect_vreg.gather [hbm4b:s8+s3], $0x80, v3, vm0, $0xb8;
	[tilespmem:$0x1E680] =	vst v63  }
0x7a: {  	s30 =	simm.s32 $0x12680  }
0x7b: {  	[tilespmem:s30], [sflag:$0x2] =	stream.indirect_vreg.gather [hbm4b:s9+s3], $0x80, v3, vm0, $0xb8;
	[tilespmem:$0x1E680] =	vst v63  }
0x7c: {  	s15 =	simm.s32 $0x12E80  }
0x7d: {  	[tilespmem:s15], [sflag:$0x2] =	stream.indirect_vreg.gather [hbm4b:s10+s3], $0x80, v3, vm0, $0xb8;
	[tilespmem:$0x1E680] =	vst v63  }
0x7e: {  	s19 =	simm.s32 $0x13680  }
0x7f: {  	[tilespmem:s19], [sflag:$0x2] =	stream.indirect_vreg.gather [hbm4b:s11+s3], $0x80, v3, vm0, $0xb8;
	[tilespmem:$0x1E680] =	vst v63  }
0x80: {  	s20 =	simm.s32 $0x13E80  }
0x81: {  	[tilespmem:s20], [sflag:$0x2] =	stream.indirect_vreg.gather [hbm4b:s12+s3], $0x80, v3, vm0, $0xb8;
	[tilespmem:$0x1E680] =	vst v63  }
0x82: {  	_ =	swait.ge [sflag:s23], $0xA000  }
0x83: {  	[sflag:s23] =	ssyncset.done $0x0  }
0x84: {  	s19 =	simm.s32 $0x680;
	s24 =	rddreg [dreg:$0x5];
	[sflag:s23] =	ssyncadd.s32 $0xFFFF6000  }
0x85: {  	[hbm4b:s24+s21] =	stream.strided.scatter [tilespmem:s19], [sflag:$0x4], $0xA000, s22, s21, $0x38;
	[tilespmem:$0x1E680] =	vst v63  }
0x86: {  	v3 =	vld [tilespmem:$0x180];
	_ =	sdelay $0x4  }
0x87: {  	v54 =	vshrl.u32 v3, $0x3  }
0x88: {  	v4 =	vmul.u32 $0xA0, v54  }
0x89: {  	v3 =	vand.u32 $0x7, v3  }
0x8a: {  	v3 =	vor.u32 v3, v4  }
0x8b: {  	v4 =	vperm.xlane v3, v0;
	_ =	sdelay $0x1  }
0x8c: {  	v4 =	vadd.s32 v1, v4;
	_ =	sdelay $0x3  }
0x8d: {  	s15 =	simm.s32 $0x14680  }
0x8e: {  	[tilespmem:s15], [sflag:$0x3] =	stream.indirect_vreg.gather [hbm4b:s1+s3], $0x80, v4, vm0, $0xb8;
	[tilespmem:$0x1E680] =	vst v63  }
0x8f: {  	s25 =	simm.s32 $0x14E80  }
0x90: {  	[tilespmem:s25], [sflag:$0x3] =	stream.indirect_vreg.gather [hbm4b:s4+s3], $0x80, v4, vm0, $0xb8;
	[tilespmem:$0x1E680] =	vst v63  }
0x91: {  	s29 =	simm.s32 $0x15680  }
0x92: {  	[tilespmem:s29], [sflag:$0x3] =	stream.indirect_vreg.gather [hbm4b:s5+s3], $0x80, v4, vm0, $0xb8;
	[tilespmem:$0x1E680] =	vst v63  }
0x93: {  	s30 =	simm.s32 $0x15E80  }
0x94: {  	[tilespmem:s30], [sflag:$0x3] =	stream.indirect_vreg.gather [hbm4b:s6+s3], $0x80, v4, vm0, $0xb8;
	[tilespmem:$0x1E680] =	vst v63  }
0x95: {  	s20 =	simm.s32 $0x16680  }
0x96: {  	[tilespmem:s20], [sflag:$0x3] =	stream.indirect_vreg.gather [hbm4b:s7+s3], $0x80, v4, vm0, $0xb8;
	[tilespmem:$0x1E680] =	vst v63  }
0x97: {  	s24 =	simm.s32 $0x16E80  }
0x98: {  	[tilespmem:s24], [sflag:$0x3] =	stream.indirect_vreg.gather [hbm4b:s8+s3], $0x80, v4, vm0, $0xb8;
	[tilespmem:$0x1E680] =	vst v63  }
0x99: {  	s25 =	simm.s32 $0x17680  }
0x9a: {  	[tilespmem:s25], [sflag:$0x3] =	stream.indirect_vreg.gather [hbm4b:s9+s3], $0x80, v4, vm0, $0xb8;
	[tilespmem:$0x1E680] =	vst v63  }
0x9b: {  	v3 =	vperm.xlane v3, v2;
	s29 =	simm.s32 $0x17E80  }
0x9c: {  	[tilespmem:s29], [sflag:$0x3] =	stream.indirect_vreg.gather [hbm4b:s10+s3], $0x80, v4, vm0, $0xb8;
	[tilespmem:$0x1E680] =	vst v63  }
0x9d: {  	v3 =	vadd.s32 v1, v3;
	s30 =	simm.s32 $0x18680  }
0x9e: {  	[tilespmem:s30], [sflag:$0x3] =	stream.indirect_vreg.gather [hbm4b:s11+s3], $0x80, v4, vm0, $0xb8;
	[tilespmem:$0x1E680] =	vst v63  }
0x9f: {  	s20 =	simm.s32 $0x18E80  }
0xa0: {  	[tilespmem:s20], [sflag:$0x3] =	stream.indirect_vreg.gather [hbm4b:s12+s3], $0x80, v4, vm0, $0xb8;
	[tilespmem:$0x1E680] =	vst v63  }
0xa1: {  	s24 =	simm.s32 $0x19680  }
0xa2: {  	[tilespmem:s24], [sflag:$0x3] =	stream.indirect_vreg.gather [hbm4b:s1+s3], $0x80, v3, vm0, $0xb8;
	[tilespmem:$0x1E680] =	vst v63  }
0xa3: {  	s25 =	simm.s32 $0x19E80  }
0xa4: {  	[tilespmem:s25], [sflag:$0x3] =	stream.indirect_vreg.gather [hbm4b:s4+s3], $0x80, v3, vm0, $0xb8;
	[tilespmem:$0x1E680] =	vst v63  }
0xa5: {  	s29 =	simm.s32 $0x1A680  }
0xa6: {  	[tilespmem:s29], [sflag:$0x3] =	stream.indirect_vreg.gather [hbm4b:s5+s3], $0x80, v3, vm0, $0xb8;
	[tilespmem:$0x1E680] =	vst v63  }
0xa7: {  	s30 =	simm.s32 $0x1AE80  }
0xa8: {  	[tilespmem:s30], [sflag:$0x3] =	stream.indirect_vreg.gather [hbm4b:s6+s3], $0x80, v3, vm0, $0xb8;
	[tilespmem:$0x1E680] =	vst v63  }
0xa9: {  	s20 =	simm.s32 $0x1B680  }
0xaa: {  	[tilespmem:s20], [sflag:$0x3] =	stream.indirect_vreg.gather [hbm4b:s7+s3], $0x80, v3, vm0, $0xb8;
	[tilespmem:$0x1E680] =	vst v63  }
0xab: {  	s24 =	simm.s32 $0x1BE80  }
0xac: {  	[tilespmem:s24], [sflag:$0x3] =	stream.indirect_vreg.gather [hbm4b:s8+s3], $0x80, v3, vm0, $0xb8;
	[tilespmem:$0x1E680] =	vst v63  }
0xad: {  	s25 =	simm.s32 $0x1C680  }
0xae: {  	[tilespmem:s25], [sflag:$0x3] =	stream.indirect_vreg.gather [hbm4b:s9+s3], $0x80, v3, vm0, $0xb8;
	[tilespmem:$0x1E680] =	vst v63  }
0xaf: {  	s29 =	simm.s32 $0x1CE80  }
0xb0: {  	[tilespmem:s29], [sflag:$0x3] =	stream.indirect_vreg.gather [hbm4b:s10+s3], $0x80, v3, vm0, $0xb8;
	[tilespmem:$0x1E680] =	vst v63  }
0xb1: {  	s30 =	simm.s32 $0x1D680  }
0xb2: {  	[tilespmem:s30], [sflag:$0x3] =	stream.indirect_vreg.gather [hbm4b:s11+s3], $0x80, v3, vm0, $0xb8;
	[tilespmem:$0x1E680] =	vst v63  }
0xb3: {  	s20 =	simm.s32 $0x1DE80  }
0xb4: {  	[tilespmem:s20], [sflag:$0x3] =	stream.indirect_vreg.gather [hbm4b:s12+s3], $0x80, v3, vm0, $0xb8;
	[tilespmem:$0x1E680] =	vst v63  }
0xb5: {  	_ =	swait.ge [sflag:s31], $0xA000  }
0xb6: {  	[sflag:s31] =	ssyncset.done $0x0  }
0xb7: {  	s17 =	simm.s32 $0xA680;
	s24 =	rddreg [dreg:$0x6];
	[sflag:s31] =	ssyncadd.s32 $0xFFFF6000  }
0xb8: {  	[hbm4b:s24+s21] =	stream.strided.scatter [tilespmem:s17], [sflag:$0x5], $0xA000, s22, s21, $0x38;
	[tilespmem:$0x1E680] =	vst v63  }
0xb9: {  	_ =	swait.ge [sflag:s2], $0xA000  }
0xba: {  	[sflag:s2] =	ssyncset.done $0x0  }
0xbb: {  	[sflag:s2] =	ssyncadd.s32 $0xFFFF6000  }
0xbc: {  	v3 =	vld [tilespmem:$0x200];
	_ =	sdelay $0x4  }
0xbd: {  	v55 =	vshrl.u32 v3, $0x3  }
0xbe: {  	v4 =	vmul.u32 $0xA0, v55  }
0xbf: {  	v3 =	vand.u32 $0x7, v3  }
0xc0: {  	v3 =	vor.u32 v3, v4  }
0xc1: {  	v4 =	vperm.xlane v3, v0;
	_ =	sdelay $0x1  }
0xc2: {  	v4 =	vadd.s32 v1, v4;
	_ =	sdelay $0x4  }
0xc3: {  	[tilespmem:s19], [sflag:$0x1] =	stream.indirect_vreg.gather [hbm4b:s1+s3], $0x80, v4, vm0, $0xb8;
	[tilespmem:$0x1E680] =	vst v63  }
0xc4: {  	s25 =	simm.s32 $0xE80  }
0xc5: {  	[tilespmem:s25], [sflag:$0x1] =	stream.indirect_vreg.gather [hbm4b:s4+s3], $0x80, v4, vm0, $0xb8;
	[tilespmem:$0x1E680] =	vst v63  }
0xc6: {  	s19 =	simm.s32 $0x1680  }
0xc7: {  	[tilespmem:s19], [sflag:$0x1] =	stream.indirect_vreg.gather [hbm4b:s5+s3], $0x80, v4, vm0, $0xb8;
	[tilespmem:$0x1E680] =	vst v63  }
0xc8: {  	s29 =	simm.s32 $0x1E80  }
0xc9: {  	[tilespmem:s29], [sflag:$0x1] =	stream.indirect_vreg.gather [hbm4b:s6+s3], $0x80, v4, vm0, $0xb8;
	[tilespmem:$0x1E680] =	vst v63  }
0xca: {  	s24 =	simm.s32 $0x2680  }
0xcb: {  	[tilespmem:s24], [sflag:$0x1] =	stream.indirect_vreg.gather [hbm4b:s7+s3], $0x80, v4, vm0, $0xb8;
	[tilespmem:$0x1E680] =	vst v63  }
0xcc: {  	s25 =	simm.s32 $0x2E80  }
0xcd: {  	[tilespmem:s25], [sflag:$0x1] =	stream.indirect_vreg.gather [hbm4b:s8+s3], $0x80, v4, vm0, $0xb8;
	[tilespmem:$0x1E680] =	vst v63  }
0xce: {  	s26 =	simm.s32 $0x3680  }
0xcf: {  	[tilespmem:s26], [sflag:$0x1] =	stream.indirect_vreg.gather [hbm4b:s9+s3], $0x80, v4, vm0, $0xb8;
	[tilespmem:$0x1E680] =	vst v63  }
0xd0: {  	s28 =	simm.s32 $0x3E80;
	v3 =	vperm.xlane v3, v2  }
0xd1: {  	[tilespmem:s28], [sflag:$0x1] =	stream.indirect_vreg.gather [hbm4b:s10+s3], $0x80, v4, vm0, $0xb8;
	[tilespmem:$0x1E680] =	vst v63  }
0xd2: {  	v3 =	vadd.s32 v1, v3;
	s26 =	simm.s32 $0x4680  }
0xd3: {  	[tilespmem:s26], [sflag:$0x1] =	stream.indirect_vreg.gather [hbm4b:s11+s3], $0x80, v4, vm0, $0xb8;
	[tilespmem:$0x1E680] =	vst v63  }
0xd4: {  	s28 =	simm.s32 $0x4E80  }
0xd5: {  	[tilespmem:s28], [sflag:$0x1] =	stream.indirect_vreg.gather [hbm4b:s12+s3], $0x80, v4, vm0, $0xb8;
	[tilespmem:$0x1E680] =	vst v63  }
0xd6: {  	s29 =	simm.s32 $0x5680  }
0xd7: {  	[tilespmem:s29], [sflag:$0x1] =	stream.indirect_vreg.gather [hbm4b:s1+s3], $0x80, v3, vm0, $0xb8;
	[tilespmem:$0x1E680] =	vst v63  }
0xd8: {  	s30 =	simm.s32 $0x5E80  }
0xd9: {  	[tilespmem:s30], [sflag:$0x1] =	stream.indirect_vreg.gather [hbm4b:s4+s3], $0x80, v3, vm0, $0xb8;
	[tilespmem:$0x1E680] =	vst v63  }
0xda: {  	s30 =	simm.s32 $0x6680  }
0xdb: {  	[tilespmem:s30], [sflag:$0x1] =	stream.indirect_vreg.gather [hbm4b:s5+s3], $0x80, v3, vm0, $0xb8;
	[tilespmem:$0x1E680] =	vst v63  }
0xdc: {  	s30 =	simm.s32 $0x6E80  }
0xdd: {  	[tilespmem:s30], [sflag:$0x1] =	stream.indirect_vreg.gather [hbm4b:s6+s3], $0x80, v3, vm0, $0xb8;
	[tilespmem:$0x1E680] =	vst v63  }
0xde: {  	s30 =	simm.s32 $0x7680  }
0xdf: {  	[tilespmem:s30], [sflag:$0x1] =	stream.indirect_vreg.gather [hbm4b:s7+s3], $0x80, v3, vm0, $0xb8;
	[tilespmem:$0x1E680] =	vst v63  }
0xe0: {  	s30 =	simm.s32 $0x7E80  }
0xe1: {  	[tilespmem:s30], [sflag:$0x1] =	stream.indirect_vreg.gather [hbm4b:s8+s3], $0x80, v3, vm0, $0xb8;
	[tilespmem:$0x1E680] =	vst v63  }
0xe2: {  	s30 =	simm.s32 $0x8680  }
0xe3: {  	[tilespmem:s30], [sflag:$0x1] =	stream.indirect_vreg.gather [hbm4b:s9+s3], $0x80, v3, vm0, $0xb8;
	[tilespmem:$0x1E680] =	vst v63  }
0xe4: {  	s30 =	simm.s32 $0x8E80  }
0xe5: {  	[tilespmem:s30], [sflag:$0x1] =	stream.indirect_vreg.gather [hbm4b:s10+s3], $0x80, v3, vm0, $0xb8;
	[tilespmem:$0x1E680] =	vst v63  }
0xe6: {  	s30 =	simm.s32 $0x9680  }
0xe7: {  	[tilespmem:s30], [sflag:$0x1] =	stream.indirect_vreg.gather [hbm4b:s11+s3], $0x80, v3, vm0, $0xb8;
	[tilespmem:$0x1E680] =	vst v63  }
0xe8: {  	s30 =	simm.s32 $0x9E80  }
0xe9: {  	[tilespmem:s30], [sflag:$0x1] =	stream.indirect_vreg.gather [hbm4b:s12+s3], $0x80, v3, vm0, $0xb8;
	[tilespmem:$0x1E680] =	vst v63  }
0xea: {  	_ =	swait.ge [sflag:s0], $0xA000  }
0xeb: {  	[sflag:s0] =	ssyncset.done $0x0  }
0xec: {  	s30 =	rddreg [dreg:$0x7];
	[sflag:s0] =	ssyncadd.s32 $0xFFFF6000  }
0xed: {  	[hbm4b:s30+s21] =	stream.strided.scatter [tilespmem:s15], [sflag:$0x6], $0xA000, s22, s21, $0x38;
	[tilespmem:$0x1E680] =	vst v63  }
0xee: {  	_ =	swait.ge [sflag:s14], $0xA000  }
0xef: {  	[sflag:s14] =	ssyncset.done $0x0  }
0xf0: {  	[sflag:s14] =	ssyncadd.s32 $0xFFFF6000  }
0xf1: {  	v3 =	vld [tilespmem:$0x280];
	_ =	sdelay $0x4  }
0xf2: {  	v56 =	vshrl.u32 v3, $0x3  }
0xf3: {  	v4 =	vmul.u32 $0xA0, v56  }
0xf4: {  	v3 =	vand.u32 $0x7, v3  }
0xf5: {  	v3 =	vor.u32 v3, v4  }
0xf6: {  	v4 =	vperm.xlane v3, v0;
	_ =	sdelay $0x1  }
0xf7: {  	v4 =	vadd.s32 v1, v4;
	_ =	sdelay $0x3  }
0xf8: {  	s20 =	simm.s32 $0xA680  }
0xf9: {  	[tilespmem:s20], [sflag:$0x2] =	stream.indirect_vreg.gather [hbm4b:s1+s3], $0x80, v4, vm0, $0xb8;
	[tilespmem:$0x1E680] =	vst v63  }
0xfa: {  	s20 =	simm.s32 $0xAE80  }
0xfb: {  	[tilespmem:s20], [sflag:$0x2] =	stream.indirect_vreg.gather [hbm4b:s4+s3], $0x80, v4, vm0, $0xb8;
	[tilespmem:$0x1E680] =	vst v63  }
0xfc: {  	s20 =	simm.s32 $0xB680  }
0xfd: {  	[tilespmem:s20], [sflag:$0x2] =	stream.indirect_vreg.gather [hbm4b:s5+s3], $0x80, v4, vm0, $0xb8;
	[tilespmem:$0x1E680] =	vst v63  }
0xfe: {  	s20 =	simm.s32 $0xBE80  }
0xff: {  	[tilespmem:s20], [sflag:$0x2] =	stream.indirect_vreg.gather [hbm4b:s6+s3], $0x80, v4, vm0, $0xb8;
	[tilespmem:$0x1E680] =	vst v63  }
0x100: {  	s20 =	simm.s32 $0xC680  }
0x101: {  	[tilespmem:s20], [sflag:$0x2] =	stream.indirect_vreg.gather [hbm4b:s7+s3], $0x80, v4, vm0, $0xb8;
	[tilespmem:$0x1E680] =	vst v63  }
0x102: {  	s20 =	simm.s32 $0xCE80  }
0x103: {  	[tilespmem:s20], [sflag:$0x2] =	stream.indirect_vreg.gather [hbm4b:s8+s3], $0x80, v4, vm0, $0xb8;
	[tilespmem:$0x1E680] =	vst v63  }
0x104: {  	s20 =	simm.s32 $0xD680  }
0x105: {  	[tilespmem:s20], [sflag:$0x2] =	stream.indirect_vreg.gather [hbm4b:s9+s3], $0x80, v4, vm0, $0xb8;
	[tilespmem:$0x1E680] =	vst v63  }
0x106: {  	v3 =	vperm.xlane v3, v2;
	s20 =	simm.s32 $0xDE80  }
0x107: {  	[tilespmem:s20], [sflag:$0x2] =	stream.indirect_vreg.gather [hbm4b:s10+s3], $0x80, v4, vm0, $0xb8;
	[tilespmem:$0x1E680] =	vst v63  }
0x108: {  	v3 =	vadd.s32 v1, v3;
	s20 =	simm.s32 $0xE680  }
0x109: {  	[tilespmem:s20], [sflag:$0x2] =	stream.indirect_vreg.gather [hbm4b:s11+s3], $0x80, v4, vm0, $0xb8;
	[tilespmem:$0x1E680] =	vst v63  }
0x10a: {  	s20 =	simm.s32 $0xEE80  }
0x10b: {  	[tilespmem:s20], [sflag:$0x2] =	stream.indirect_vreg.gather [hbm4b:s12+s3], $0x80, v4, vm0, $0xb8;
	[tilespmem:$0x1E680] =	vst v63  }
0x10c: {  	s20 =	simm.s32 $0xF680  }
0x10d: {  	[tilespmem:s20], [sflag:$0x2] =	stream.indirect_vreg.gather [hbm4b:s1+s3], $0x80, v3, vm0, $0xb8;
	[tilespmem:$0x1E680] =	vst v63  }
0x10e: {  	s20 =	simm.s32 $0xFE80  }
0x10f: {  	[tilespmem:s20], [sflag:$0x2] =	stream.indirect_vreg.gather [hbm4b:s4+s3], $0x80, v3, vm0, $0xb8;
	[tilespmem:$0x1E680] =	vst v63  }
0x110: {  	s20 =	simm.s32 $0x10680  }
0x111: {  	[tilespmem:s20], [sflag:$0x2] =	stream.indirect_vreg.gather [hbm4b:s5+s3], $0x80, v3, vm0, $0xb8;
	[tilespmem:$0x1E680] =	vst v63  }
0x112: {  	s20 =	simm.s32 $0x10E80  }
0x113: {  	[tilespmem:s20], [sflag:$0x2] =	stream.indirect_vreg.gather [hbm4b:s6+s3], $0x80, v3, vm0, $0xb8;
	[tilespmem:$0x1E680] =	vst v63  }
0x114: {  	s20 =	simm.s32 $0x11680  }
0x115: {  	[tilespmem:s20], [sflag:$0x2] =	stream.indirect_vreg.gather [hbm4b:s7+s3], $0x80, v3, vm0, $0xb8;
	[tilespmem:$0x1E680] =	vst v63  }
0x116: {  	s20 =	simm.s32 $0x11E80  }
0x117: {  	[tilespmem:s20], [sflag:$0x2] =	stream.indirect_vreg.gather [hbm4b:s8+s3], $0x80, v3, vm0, $0xb8;
	[tilespmem:$0x1E680] =	vst v63  }
0x118: {  	s20 =	simm.s32 $0x12680  }
0x119: {  	[tilespmem:s20], [sflag:$0x2] =	stream.indirect_vreg.gather [hbm4b:s9+s3], $0x80, v3, vm0, $0xb8;
	[tilespmem:$0x1E680] =	vst v63  }
0x11a: {  	s20 =	simm.s32 $0x12E80  }
0x11b: {  	[tilespmem:s20], [sflag:$0x2] =	stream.indirect_vreg.gather [hbm4b:s10+s3], $0x80, v3, vm0, $0xb8;
	[tilespmem:$0x1E680] =	vst v63  }
0x11c: {  	s20 =	simm.s32 $0x13680  }
0x11d: {  	[tilespmem:s20], [sflag:$0x2] =	stream.indirect_vreg.gather [hbm4b:s11+s3], $0x80, v3, vm0, $0xb8;
	[tilespmem:$0x1E680] =	vst v63  }
0x11e: {  	s20 =	simm.s32 $0x13E80  }
0x11f: {  	[tilespmem:s20], [sflag:$0x2] =	stream.indirect_vreg.gather [hbm4b:s12+s3], $0x80, v3, vm0, $0xb8;
	[tilespmem:$0x1E680] =	vst v63  }
0x120: {  	_ =	swait.ge [sflag:s23], $0xA000  }
0x121: {  	[sflag:s23] =	ssyncset.done $0x0  }
0x122: {  	s17 =	simm.s32 $0x680;
	s20 =	rddreg [dreg:$0x8];
	[sflag:s23] =	ssyncadd.s32 $0xFFFF6000  }
0x123: {  	[hbm4b:s20+s21] =	stream.strided.scatter [tilespmem:s17], [sflag:$0x4], $0xA000, s22, s21, $0x38;
	[tilespmem:$0x1E680] =	vst v63  }
0x124: {  	_ =	swait.ge [sflag:s16], $0xA000  }
0x125: {  	[sflag:s16] =	ssyncset.done $0x0  }
0x126: {  	[sflag:s16] =	ssyncadd.s32 $0xFFFF6000  }
0x127: {  	v3 =	vld [tilespmem:$0x300];
	_ =	sdelay $0x4  }
0x128: {  	v57 =	vshrl.u32 v3, $0x3  }
0x129: {  	v4 =	vmul.u32 $0xA0, v57  }
0x12a: {  	v3 =	vand.u32 $0x7, v3  }
0x12b: {  	v3 =	vor.u32 v3, v4  }
0x12c: {  	v4 =	vperm.xlane v3, v0;
	_ =	sdelay $0x1  }
0x12d: {  	v4 =	vadd.s32 v1, v4;
	_ =	sdelay $0x4  }
0x12e: {  	[tilespmem:s15], [sflag:$0x3] =	stream.indirect_vreg.gather [hbm4b:s1+s3], $0x80, v4, vm0, $0xb8;
	[tilespmem:$0x1E680] =	vst v63  }
0x12f: {  	s18 =	simm.s32 $0x14E80  }
0x130: {  	[tilespmem:s18], [sflag:$0x3] =	stream.indirect_vreg.gather [hbm4b:s4+s3], $0x80, v4, vm0, $0xb8;
	[tilespmem:$0x1E680] =	vst v63  }
0x131: {  	s18 =	simm.s32 $0x15680  }
0x132: {  	[tilespmem:s18], [sflag:$0x3] =	stream.indirect_vreg.gather [hbm4b:s5+s3], $0x80, v4, vm0, $0xb8;
	[tilespmem:$0x1E680] =	vst v63  }
0x133: {  	s18 =	simm.s32 $0x15E80  }
0x134: {  	[tilespmem:s18], [sflag:$0x3] =	stream.indirect_vreg.gather [hbm4b:s6+s3], $0x80, v4, vm0, $0xb8;
	[tilespmem:$0x1E680] =	vst v63  }
0x135: {  	s18 =	simm.s32 $0x16680  }
0x136: {  	[tilespmem:s18], [sflag:$0x3] =	stream.indirect_vreg.gather [hbm4b:s7+s3], $0x80, v4, vm0, $0xb8;
	[tilespmem:$0x1E680] =	vst v63  }
0x137: {  	s18 =	simm.s32 $0x16E80  }
0x138: {  	[tilespmem:s18], [sflag:$0x3] =	stream.indirect_vreg.gather [hbm4b:s8+s3], $0x80, v4, vm0, $0xb8;
	[tilespmem:$0x1E680] =	vst v63  }
0x139: {  	s18 =	simm.s32 $0x17680  }
0x13a: {  	[tilespmem:s18], [sflag:$0x3] =	stream.indirect_vreg.gather [hbm4b:s9+s3], $0x80, v4, vm0, $0xb8;
	[tilespmem:$0x1E680] =	vst v63  }
0x13b: {  	v3 =	vperm.xlane v3, v2;
	s18 =	simm.s32 $0x17E80  }
0x13c: {  	[tilespmem:s18], [sflag:$0x3] =	stream.indirect_vreg.gather [hbm4b:s10+s3], $0x80, v4, vm0, $0xb8;
	[tilespmem:$0x1E680] =	vst v63  }
0x13d: {  	v3 =	vadd.s32 v1, v3;
	s18 =	simm.s32 $0x18680  }
0x13e: {  	[tilespmem:s18], [sflag:$0x3] =	stream.indirect_vreg.gather [hbm4b:s11+s3], $0x80, v4, vm0, $0xb8;
	[tilespmem:$0x1E680] =	vst v63  }
0x13f: {  	s18 =	simm.s32 $0x18E80  }
0x140: {  	[tilespmem:s18], [sflag:$0x3] =	stream.indirect_vreg.gather [hbm4b:s12+s3], $0x80, v4, vm0, $0xb8;
	[tilespmem:$0x1E680] =	vst v63  }
0x141: {  	s18 =	simm.s32 $0x19680  }
0x142: {  	[tilespmem:s18], [sflag:$0x3] =	stream.indirect_vreg.gather [hbm4b:s1+s3], $0x80, v3, vm0, $0xb8;
	[tilespmem:$0x1E680] =	vst v63  }
0x143: {  	s18 =	simm.s32 $0x19E80  }
0x144: {  	[tilespmem:s18], [sflag:$0x3] =	stream.indirect_vreg.gather [hbm4b:s4+s3], $0x80, v3, vm0, $0xb8;
	[tilespmem:$0x1E680] =	vst v63  }
0x145: {  	s18 =	simm.s32 $0x1A680  }
0x146: {  	[tilespmem:s18], [sflag:$0x3] =	stream.indirect_vreg.gather [hbm4b:s5+s3], $0x80, v3, vm0, $0xb8;
	[tilespmem:$0x1E680] =	vst v63  }
0x147: {  	s18 =	simm.s32 $0x1AE80  }
0x148: {  	[tilespmem:s18], [sflag:$0x3] =	stream.indirect_vreg.gather [hbm4b:s6+s3], $0x80, v3, vm0, $0xb8;
	[tilespmem:$0x1E680] =	vst v63  }
0x149: {  	s18 =	simm.s32 $0x1B680  }
0x14a: {  	[tilespmem:s18], [sflag:$0x3] =	stream.indirect_vreg.gather [hbm4b:s7+s3], $0x80, v3, vm0, $0xb8;
	[tilespmem:$0x1E680] =	vst v63  }
0x14b: {  	s18 =	simm.s32 $0x1BE80  }
0x14c: {  	[tilespmem:s18], [sflag:$0x3] =	stream.indirect_vreg.gather [hbm4b:s8+s3], $0x80, v3, vm0, $0xb8;
	[tilespmem:$0x1E680] =	vst v63  }
0x14d: {  	s18 =	simm.s32 $0x1C680  }
0x14e: {  	[tilespmem:s18], [sflag:$0x3] =	stream.indirect_vreg.gather [hbm4b:s9+s3], $0x80, v3, vm0, $0xb8;
	[tilespmem:$0x1E680] =	vst v63  }
0x14f: {  	s18 =	simm.s32 $0x1CE80  }
0x150: {  	[tilespmem:s18], [sflag:$0x3] =	stream.indirect_vreg.gather [hbm4b:s10+s3], $0x80, v3, vm0, $0xb8;
	[tilespmem:$0x1E680] =	vst v63  }
0x151: {  	s18 =	simm.s32 $0x1D680  }
0x152: {  	[tilespmem:s18], [sflag:$0x3] =	stream.indirect_vreg.gather [hbm4b:s11+s3], $0x80, v3, vm0, $0xb8;
	[tilespmem:$0x1E680] =	vst v63  }
0x153: {  	s18 =	simm.s32 $0x1DE80  }
0x154: {  	[tilespmem:s18], [sflag:$0x3] =	stream.indirect_vreg.gather [hbm4b:s12+s3], $0x80, v3, vm0, $0xb8;
	[tilespmem:$0x1E680] =	vst v63  }
0x155: {  	_ =	swait.ge [sflag:s31], $0xA000  }
0x156: {  	[sflag:s31] =	ssyncset.done $0x0  }
0x157: {  	s30 =	simm.s32 $0xA680;
	s17 =	rddreg [dreg:$0x9];
	[sflag:s31] =	ssyncadd.s32 $0xFFFF6000  }
0x158: {  	[hbm4b:s17+s21] =	stream.strided.scatter [tilespmem:s30], [sflag:$0x5], $0xA000, s22, s21, $0x38;
	[tilespmem:$0x1E680] =	vst v63  }
0x159: {  	_ =	swait.ge [sflag:s2], $0xA000  }
0x15a: {  	[sflag:s2] =	ssyncset.done $0x0  }
0x15b: {  	[sflag:s2] =	ssyncadd.s32 $0xFFFF6000  }
0x15c: {  	v3 =	vld [tilespmem:$0x380];
	_ =	sdelay $0x4  }
0x15d: {  	v58 =	vshrl.u32 v3, $0x3  }
0x15e: {  	v4 =	vmul.u32 $0xA0, v58  }
0x15f: {  	v3 =	vand.u32 $0x7, v3  }
0x160: {  	v3 =	vor.u32 v3, v4  }
0x161: {  	v4 =	vperm.xlane v3, v0;
	_ =	sdelay $0x1  }
0x162: {  	v4 =	vadd.s32 v1, v4;
	_ =	sdelay $0x3  }
0x163: {  	s20 =	simm.s32 $0x680  }
0x164: {  	[tilespmem:s20], [sflag:$0x1] =	stream.indirect_vreg.gather [hbm4b:s1+s3], $0x80, v4, vm0, $0xb8;
	[tilespmem:$0x1E680] =	vst v63  }
0x165: {  	s18 =	simm.s32 $0xE80  }
0x166: {  	[tilespmem:s18], [sflag:$0x1] =	stream.indirect_vreg.gather [hbm4b:s4+s3], $0x80, v4, vm0, $0xb8;
	[tilespmem:$0x1E680] =	vst v63  }
0x167: {  	_ = 	snop  }
0x168: {  	[tilespmem:s19], [sflag:$0x1] =	stream.indirect_vreg.gather [hbm4b:s5+s3], $0x80, v4, vm0, $0xb8;
	[tilespmem:$0x1E680] =	vst v63  }
0x169: {  	s30 =	simm.s32 $0x1E80  }
0x16a: {  	[tilespmem:s30], [sflag:$0x1] =	stream.indirect_vreg.gather [hbm4b:s6+s3], $0x80, v4, vm0, $0xb8;
	[tilespmem:$0x1E680] =	vst v63  }
0x16b: {  	_ = 	snop  }
0x16c: {  	[tilespmem:s24], [sflag:$0x1] =	stream.indirect_vreg.gather [hbm4b:s7+s3], $0x80, v4, vm0, $0xb8;
	[tilespmem:$0x1E680] =	vst v63  }
0x16d: {  	_ = 	snop  }
0x16e: {  	[tilespmem:s25], [sflag:$0x1] =	stream.indirect_vreg.gather [hbm4b:s8+s3], $0x80, v4, vm0, $0xb8;
	[tilespmem:$0x1E680] =	vst v63  }
0x16f: {  	s18 =	simm.s32 $0x3680  }
0x170: {  	[tilespmem:s18], [sflag:$0x1] =	stream.indirect_vreg.gather [hbm4b:s9+s3], $0x80, v4, vm0, $0xb8;
	[tilespmem:$0x1E680] =	vst v63  }
0x171: {  	v3 =	vperm.xlane v3, v2;
	s18 =	simm.s32 $0x3E80  }
0x172: {  	[tilespmem:s18], [sflag:$0x1] =	stream.indirect_vreg.gather [hbm4b:s10+s3], $0x80, v4, vm0, $0xb8;
	[tilespmem:$0x1E680] =	vst v63  }
0x173: {  	v3 =	vadd.s32 v1, v3  }
0x174: {  	[tilespmem:s26], [sflag:$0x1] =	stream.indirect_vreg.gather [hbm4b:s11+s3], $0x80, v4, vm0, $0xb8;
	[tilespmem:$0x1E680] =	vst v63  }
0x175: {  	_ = 	snop  }
0x176: {  	[tilespmem:s28], [sflag:$0x1] =	stream.indirect_vreg.gather [hbm4b:s12+s3], $0x80, v4, vm0, $0xb8;
	[tilespmem:$0x1E680] =	vst v63  }
0x177: {  	_ = 	snop  }
0x178: {  	[tilespmem:s29], [sflag:$0x1] =	stream.indirect_vreg.gather [hbm4b:s1+s3], $0x80, v3, vm0, $0xb8;
	[tilespmem:$0x1E680] =	vst v63  }
0x179: {  	s17 =	simm.s32 $0x5E80  }
0x17a: {  	[tilespmem:s17], [sflag:$0x1] =	stream.indirect_vreg.gather [hbm4b:s4+s3], $0x80, v3, vm0, $0xb8;
	[tilespmem:$0x1E680] =	vst v63  }
0x17b: {  	s17 =	simm.s32 $0x6680  }
0x17c: {  	[tilespmem:s17], [sflag:$0x1] =	stream.indirect_vreg.gather [hbm4b:s5+s3], $0x80, v3, vm0, $0xb8;
	[tilespmem:$0x1E680] =	vst v63  }
0x17d: {  	s17 =	simm.s32 $0x6E80  }
0x17e: {  	[tilespmem:s17], [sflag:$0x1] =	stream.indirect_vreg.gather [hbm4b:s6+s3], $0x80, v3, vm0, $0xb8;
	[tilespmem:$0x1E680] =	vst v63  }
0x17f: {  	s17 =	simm.s32 $0x7680  }
0x180: {  	[tilespmem:s17], [sflag:$0x1] =	stream.indirect_vreg.gather [hbm4b:s7+s3], $0x80, v3, vm0, $0xb8;
	[tilespmem:$0x1E680] =	vst v63  }
0x181: {  	s17 =	simm.s32 $0x7E80  }
0x182: {  	[tilespmem:s17], [sflag:$0x1] =	stream.indirect_vreg.gather [hbm4b:s8+s3], $0x80, v3, vm0, $0xb8;
	[tilespmem:$0x1E680] =	vst v63  }
0x183: {  	s17 =	simm.s32 $0x8680  }
0x184: {  	[tilespmem:s17], [sflag:$0x1] =	stream.indirect_vreg.gather [hbm4b:s9+s3], $0x80, v3, vm0, $0xb8;
	[tilespmem:$0x1E680] =	vst v63  }
0x185: {  	s17 =	simm.s32 $0x8E80  }
0x186: {  	[tilespmem:s17], [sflag:$0x1] =	stream.indirect_vreg.gather [hbm4b:s10+s3], $0x80, v3, vm0, $0xb8;
	[tilespmem:$0x1E680] =	vst v63  }
0x187: {  	s17 =	simm.s32 $0x9680  }
0x188: {  	[tilespmem:s17], [sflag:$0x1] =	stream.indirect_vreg.gather [hbm4b:s11+s3], $0x80, v3, vm0, $0xb8;
	[tilespmem:$0x1E680] =	vst v63  }
0x189: {  	s17 =	simm.s32 $0x9E80  }
0x18a: {  	[tilespmem:s17], [sflag:$0x1] =	stream.indirect_vreg.gather [hbm4b:s12+s3], $0x80, v3, vm0, $0xb8;
	[tilespmem:$0x1E680] =	vst v63  }
0x18b: {  	_ =	swait.ge [sflag:s0], $0xA000  }
0x18c: {  	[sflag:s0] =	ssyncset.done $0x0  }
0x18d: {  	s17 =	rddreg [dreg:$0xa];
	[sflag:s0] =	ssyncadd.s32 $0xFFFF6000  }
0x18e: {  	[hbm4b:s17+s21] =	stream.strided.scatter [tilespmem:s15], [sflag:$0x6], $0xA000, s22, s21, $0x38;
	[tilespmem:$0x1E680] =	vst v63  }
0x18f: {  	_ =	swait.ge [sflag:s14], $0xA000  }
0x190: {  	[sflag:s14] =	ssyncset.done $0x0  }
0x191: {  	[sflag:s14] =	ssyncadd.s32 $0xFFFF6000  }
0x192: {  	v3 =	vld [tilespmem:$0x400];
	_ =	sdelay $0x4  }
0x193: {  	v59 =	vshrl.u32 v3, $0x3  }
0x194: {  	v4 =	vmul.u32 $0xA0, v59  }
0x195: {  	v3 =	vand.u32 $0x7, v3  }
0x196: {  	v3 =	vor.u32 v3, v4  }
0x197: {  	v4 =	vperm.xlane v3, v0;
	_ =	sdelay $0x1  }
0x198: {  	v4 =	vadd.s32 v1, v4;
	_ =	sdelay $0x3  }
0x199: {  	s17 =	simm.s32 $0xA680  }
0x19a: {  	[tilespmem:s17], [sflag:$0x2] =	stream.indirect_vreg.gather [hbm4b:s1+s3], $0x80, v4, vm0, $0xb8;
	[tilespmem:$0x1E680] =	vst v63  }
0x19b: {  	s18 =	simm.s32 $0xAE80  }
0x19c: {  	[tilespmem:s18], [sflag:$0x2] =	stream.indirect_vreg.gather [hbm4b:s4+s3], $0x80, v4, vm0, $0xb8;
	[tilespmem:$0x1E680] =	vst v63  }
0x19d: {  	s18 =	simm.s32 $0xB680  }
0x19e: {  	[tilespmem:s18], [sflag:$0x2] =	stream.indirect_vreg.gather [hbm4b:s5+s3], $0x80, v4, vm0, $0xb8;
	[tilespmem:$0x1E680] =	vst v63  }
0x19f: {  	s18 =	simm.s32 $0xBE80  }
0x1a0: {  	[tilespmem:s18], [sflag:$0x2] =	stream.indirect_vreg.gather [hbm4b:s6+s3], $0x80, v4, vm0, $0xb8;
	[tilespmem:$0x1E680] =	vst v63  }
0x1a1: {  	s18 =	simm.s32 $0xC680  }
0x1a2: {  	[tilespmem:s18], [sflag:$0x2] =	stream.indirect_vreg.gather [hbm4b:s7+s3], $0x80, v4, vm0, $0xb8;
	[tilespmem:$0x1E680] =	vst v63  }
0x1a3: {  	s18 =	simm.s32 $0xCE80  }
0x1a4: {  	[tilespmem:s18], [sflag:$0x2] =	stream.indirect_vreg.gather [hbm4b:s8+s3], $0x80, v4, vm0, $0xb8;
	[tilespmem:$0x1E680] =	vst v63  }
0x1a5: {  	s18 =	simm.s32 $0xD680  }
0x1a6: {  	[tilespmem:s18], [sflag:$0x2] =	stream.indirect_vreg.gather [hbm4b:s9+s3], $0x80, v4, vm0, $0xb8;
	[tilespmem:$0x1E680] =	vst v63  }
0x1a7: {  	v3 =	vperm.xlane v3, v2;
	s18 =	simm.s32 $0xDE80  }
0x1a8: {  	[tilespmem:s18], [sflag:$0x2] =	stream.indirect_vreg.gather [hbm4b:s10+s3], $0x80, v4, vm0, $0xb8;
	[tilespmem:$0x1E680] =	vst v63  }
0x1a9: {  	v3 =	vadd.s32 v1, v3;
	s18 =	simm.s32 $0xE680  }
0x1aa: {  	[tilespmem:s18], [sflag:$0x2] =	stream.indirect_vreg.gather [hbm4b:s11+s3], $0x80, v4, vm0, $0xb8;
	[tilespmem:$0x1E680] =	vst v63  }
0x1ab: {  	s18 =	simm.s32 $0xEE80  }
0x1ac: {  	[tilespmem:s18], [sflag:$0x2] =	stream.indirect_vreg.gather [hbm4b:s12+s3], $0x80, v4, vm0, $0xb8;
	[tilespmem:$0x1E680] =	vst v63  }
0x1ad: {  	s18 =	simm.s32 $0xF680  }
0x1ae: {  	[tilespmem:s18], [sflag:$0x2] =	stream.indirect_vreg.gather [hbm4b:s1+s3], $0x80, v3, vm0, $0xb8;
	[tilespmem:$0x1E680] =	vst v63  }
0x1af: {  	s18 =	simm.s32 $0xFE80  }
0x1b0: {  	[tilespmem:s18], [sflag:$0x2] =	stream.indirect_vreg.gather [hbm4b:s4+s3], $0x80, v3, vm0, $0xb8;
	[tilespmem:$0x1E680] =	vst v63  }
0x1b1: {  	s18 =	simm.s32 $0x10680  }
0x1b2: {  	[tilespmem:s18], [sflag:$0x2] =	stream.indirect_vreg.gather [hbm4b:s5+s3], $0x80, v3, vm0, $0xb8;
	[tilespmem:$0x1E680] =	vst v63  }
0x1b3: {  	s18 =	simm.s32 $0x10E80  }
0x1b4: {  	[tilespmem:s18], [sflag:$0x2] =	stream.indirect_vreg.gather [hbm4b:s6+s3], $0x80, v3, vm0, $0xb8;
	[tilespmem:$0x1E680] =	vst v63  }
0x1b5: {  	s18 =	simm.s32 $0x11680  }
0x1b6: {  	[tilespmem:s18], [sflag:$0x2] =	stream.indirect_vreg.gather [hbm4b:s7+s3], $0x80, v3, vm0, $0xb8;
	[tilespmem:$0x1E680] =	vst v63  }
0x1b7: {  	s18 =	simm.s32 $0x11E80  }
0x1b8: {  	[tilespmem:s18], [sflag:$0x2] =	stream.indirect_vreg.gather [hbm4b:s8+s3], $0x80, v3, vm0, $0xb8;
	[tilespmem:$0x1E680] =	vst v63  }
0x1b9: {  	s18 =	simm.s32 $0x12680  }
0x1ba: {  	[tilespmem:s18], [sflag:$0x2] =	stream.indirect_vreg.gather [hbm4b:s9+s3], $0x80, v3, vm0, $0xb8;
	[tilespmem:$0x1E680] =	vst v63  }
0x1bb: {  	s18 =	simm.s32 $0x12E80  }
0x1bc: {  	[tilespmem:s18], [sflag:$0x2] =	stream.indirect_vreg.gather [hbm4b:s10+s3], $0x80, v3, vm0, $0xb8;
	[tilespmem:$0x1E680] =	vst v63  }
0x1bd: {  	s18 =	simm.s32 $0x13680  }
0x1be: {  	[tilespmem:s18], [sflag:$0x2] =	stream.indirect_vreg.gather [hbm4b:s11+s3], $0x80, v3, vm0, $0xb8;
	[tilespmem:$0x1E680] =	vst v63  }
0x1bf: {  	s18 =	simm.s32 $0x13E80  }
0x1c0: {  	[tilespmem:s18], [sflag:$0x2] =	stream.indirect_vreg.gather [hbm4b:s12+s3], $0x80, v3, vm0, $0xb8;
	[tilespmem:$0x1E680] =	vst v63  }
0x1c1: {  	_ =	swait.ge [sflag:s23], $0xA000  }
0x1c2: {  	[sflag:s23] =	ssyncset.done $0x0  }
0x1c3: {  	s18 =	rddreg [dreg:$0xb];
	[sflag:s23] =	ssyncadd.s32 $0xFFFF6000  }
0x1c4: {  	[hbm4b:s18+s21] =	stream.strided.scatter [tilespmem:s20], [sflag:$0x4], $0xA000, s22, s21, $0x38;
	[tilespmem:$0x1E680] =	vst v63  }
0x1c5: {  	_ =	swait.ge [sflag:s16], $0xA000  }
0x1c6: {  	[sflag:s16] =	ssyncset.done $0x0  }
0x1c7: {  	[sflag:s16] =	ssyncadd.s32 $0xFFFF6000  }
0x1c8: {  	v3 =	vld [tilespmem:$0x480];
	_ =	sdelay $0x4  }
0x1c9: {  	v60 =	vshrl.u32 v3, $0x3  }
0x1ca: {  	v4 =	vmul.u32 $0xA0, v60  }
0x1cb: {  	v3 =	vand.u32 $0x7, v3  }
0x1cc: {  	v3 =	vor.u32 v3, v4  }
0x1cd: {  	v4 =	vperm.xlane v3, v0;
	_ =	sdelay $0x1  }
0x1ce: {  	v4 =	vadd.s32 v1, v4;
	_ =	sdelay $0x4  }
0x1cf: {  	[tilespmem:s15], [sflag:$0x3] =	stream.indirect_vreg.gather [hbm4b:s1+s3], $0x80, v4, vm0, $0xb8;
	[tilespmem:$0x1E680] =	vst v63  }
0x1d0: {  	s18 =	simm.s32 $0x14E80  }
0x1d1: {  	[tilespmem:s18], [sflag:$0x3] =	stream.indirect_vreg.gather [hbm4b:s4+s3], $0x80, v4, vm0, $0xb8;
	[tilespmem:$0x1E680] =	vst v63  }
0x1d2: {  	s18 =	simm.s32 $0x15680  }
0x1d3: {  	[tilespmem:s18], [sflag:$0x3] =	stream.indirect_vreg.gather [hbm4b:s5+s3], $0x80, v4, vm0, $0xb8;
	[tilespmem:$0x1E680] =	vst v63  }
0x1d4: {  	s18 =	simm.s32 $0x15E80  }
0x1d5: {  	[tilespmem:s18], [sflag:$0x3] =	stream.indirect_vreg.gather [hbm4b:s6+s3], $0x80, v4, vm0, $0xb8;
	[tilespmem:$0x1E680] =	vst v63  }
0x1d6: {  	s18 =	simm.s32 $0x16680  }
0x1d7: {  	[tilespmem:s18], [sflag:$0x3] =	stream.indirect_vreg.gather [hbm4b:s7+s3], $0x80, v4, vm0, $0xb8;
	[tilespmem:$0x1E680] =	vst v63  }
0x1d8: {  	s18 =	simm.s32 $0x16E80  }
0x1d9: {  	[tilespmem:s18], [sflag:$0x3] =	stream.indirect_vreg.gather [hbm4b:s8+s3], $0x80, v4, vm0, $0xb8;
	[tilespmem:$0x1E680] =	vst v63  }
0x1da: {  	s18 =	simm.s32 $0x17680  }
0x1db: {  	[tilespmem:s18], [sflag:$0x3] =	stream.indirect_vreg.gather [hbm4b:s9+s3], $0x80, v4, vm0, $0xb8;
	[tilespmem:$0x1E680] =	vst v63  }
0x1dc: {  	v3 =	vperm.xlane v3, v2;
	s18 =	simm.s32 $0x17E80  }
0x1dd: {  	[tilespmem:s18], [sflag:$0x3] =	stream.indirect_vreg.gather [hbm4b:s10+s3], $0x80, v4, vm0, $0xb8;
	[tilespmem:$0x1E680] =	vst v63  }
0x1de: {  	v3 =	vadd.s32 v1, v3;
	s18 =	simm.s32 $0x18680  }
0x1df: {  	[tilespmem:s18], [sflag:$0x3] =	stream.indirect_vreg.gather [hbm4b:s11+s3], $0x80, v4, vm0, $0xb8;
	[tilespmem:$0x1E680] =	vst v63  }
0x1e0: {  	s18 =	simm.s32 $0x18E80  }
0x1e1: {  	[tilespmem:s18], [sflag:$0x3] =	stream.indirect_vreg.gather [hbm4b:s12+s3], $0x80, v4, vm0, $0xb8;
	[tilespmem:$0x1E680] =	vst v63  }
0x1e2: {  	s18 =	simm.s32 $0x19680  }
0x1e3: {  	[tilespmem:s18], [sflag:$0x3] =	stream.indirect_vreg.gather [hbm4b:s1+s3], $0x80, v3, vm0, $0xb8;
	[tilespmem:$0x1E680] =	vst v63  }
0x1e4: {  	s18 =	simm.s32 $0x19E80  }
0x1e5: {  	[tilespmem:s18], [sflag:$0x3] =	stream.indirect_vreg.gather [hbm4b:s4+s3], $0x80, v3, vm0, $0xb8;
	[tilespmem:$0x1E680] =	vst v63  }
0x1e6: {  	s18 =	simm.s32 $0x1A680  }
0x1e7: {  	[tilespmem:s18], [sflag:$0x3] =	stream.indirect_vreg.gather [hbm4b:s5+s3], $0x80, v3, vm0, $0xb8;
	[tilespmem:$0x1E680] =	vst v63  }
0x1e8: {  	s18 =	simm.s32 $0x1AE80  }
0x1e9: {  	[tilespmem:s18], [sflag:$0x3] =	stream.indirect_vreg.gather [hbm4b:s6+s3], $0x80, v3, vm0, $0xb8;
	[tilespmem:$0x1E680] =	vst v63  }
0x1ea: {  	s18 =	simm.s32 $0x1B680  }
0x1eb: {  	[tilespmem:s18], [sflag:$0x3] =	stream.indirect_vreg.gather [hbm4b:s7+s3], $0x80, v3, vm0, $0xb8;
	[tilespmem:$0x1E680] =	vst v63  }
0x1ec: {  	s18 =	simm.s32 $0x1BE80  }
0x1ed: {  	[tilespmem:s18], [sflag:$0x3] =	stream.indirect_vreg.gather [hbm4b:s8+s3], $0x80, v3, vm0, $0xb8;
	[tilespmem:$0x1E680] =	vst v63  }
0x1ee: {  	s18 =	simm.s32 $0x1C680  }
0x1ef: {  	[tilespmem:s18], [sflag:$0x3] =	stream.indirect_vreg.gather [hbm4b:s9+s3], $0x80, v3, vm0, $0xb8;
	[tilespmem:$0x1E680] =	vst v63  }
0x1f0: {  	s18 =	simm.s32 $0x1CE80  }
0x1f1: {  	[tilespmem:s18], [sflag:$0x3] =	stream.indirect_vreg.gather [hbm4b:s10+s3], $0x80, v3, vm0, $0xb8;
	[tilespmem:$0x1E680] =	vst v63  }
0x1f2: {  	s18 =	simm.s32 $0x1D680  }
0x1f3: {  	[tilespmem:s18], [sflag:$0x3] =	stream.indirect_vreg.gather [hbm4b:s11+s3], $0x80, v3, vm0, $0xb8;
	[tilespmem:$0x1E680] =	vst v63  }
0x1f4: {  	s18 =	simm.s32 $0x1DE80  }
0x1f5: {  	[tilespmem:s18], [sflag:$0x3] =	stream.indirect_vreg.gather [hbm4b:s12+s3], $0x80, v3, vm0, $0xb8;
	[tilespmem:$0x1E680] =	vst v63  }
0x1f6: {  	_ =	swait.ge [sflag:s31], $0xA000  }
0x1f7: {  	[sflag:s31] =	ssyncset.done $0x0  }
0x1f8: {  	s18 =	rddreg [dreg:$0xc];
	[sflag:s31] =	ssyncadd.s32 $0xFFFF6000  }
0x1f9: {  	[hbm4b:s18+s21] =	stream.strided.scatter [tilespmem:s17], [sflag:$0x5], $0xA000, s22, s21, $0x38;
	[tilespmem:$0x1E680] =	vst v63  }
0x1fa: {  	_ =	swait.ge [sflag:s2], $0xA000  }
0x1fb: {  	[sflag:s2] =	ssyncset.done $0x0  }
0x1fc: {  	[sflag:s2] =	ssyncadd.s32 $0xFFFF6000  }
0x1fd: {  	v3 =	vld [tilespmem:$0x500];
	_ =	sdelay $0x4  }
0x1fe: {  	v61 =	vshrl.u32 v3, $0x3  }
0x1ff: {  	v4 =	vmul.u32 $0xA0, v61  }
0x200: {  	v3 =	vand.u32 $0x7, v3  }
0x201: {  	v3 =	vor.u32 v3, v4  }
0x202: {  	v4 =	vperm.xlane v3, v0;
	_ =	sdelay $0x1  }
0x203: {  	v4 =	vadd.s32 v1, v4;
	_ =	sdelay $0x4  }
0x204: {  	[tilespmem:s20], [sflag:$0x1] =	stream.indirect_vreg.gather [hbm4b:s1+s3], $0x80, v4, vm0, $0xb8;
	[tilespmem:$0x1E680] =	vst v63  }
0x205: {  	s18 =	simm.s32 $0xE80  }
0x206: {  	[tilespmem:s18], [sflag:$0x1] =	stream.indirect_vreg.gather [hbm4b:s4+s3], $0x80, v4, vm0, $0xb8;
	[tilespmem:$0x1E680] =	vst v63  }
0x207: {  	s19 =	simm.s32 $0x1680  }
0x208: {  	[tilespmem:s19], [sflag:$0x1] =	stream.indirect_vreg.gather [hbm4b:s5+s3], $0x80, v4, vm0, $0xb8;
	[tilespmem:$0x1E680] =	vst v63  }
0x209: {  	s30 =	simm.s32 $0x1E80  }
0x20a: {  	[tilespmem:s30], [sflag:$0x1] =	stream.indirect_vreg.gather [hbm4b:s6+s3], $0x80, v4, vm0, $0xb8;
	[tilespmem:$0x1E680] =	vst v63  }
0x20b: {  	s24 =	simm.s32 $0x2680  }
0x20c: {  	[tilespmem:s24], [sflag:$0x1] =	stream.indirect_vreg.gather [hbm4b:s7+s3], $0x80, v4, vm0, $0xb8;
	[tilespmem:$0x1E680] =	vst v63  }
0x20d: {  	s25 =	simm.s32 $0x2E80  }
0x20e: {  	[tilespmem:s25], [sflag:$0x1] =	stream.indirect_vreg.gather [hbm4b:s8+s3], $0x80, v4, vm0, $0xb8;
	[tilespmem:$0x1E680] =	vst v63  }
0x20f: {  	s25 =	simm.s32 $0x3680  }
0x210: {  	[tilespmem:s25], [sflag:$0x1] =	stream.indirect_vreg.gather [hbm4b:s9+s3], $0x80, v4, vm0, $0xb8;
	[tilespmem:$0x1E680] =	vst v63  }
0x211: {  	v3 =	vperm.xlane v3, v2;
	s30 =	simm.s32 $0x3E80  }
0x212: {  	[tilespmem:s30], [sflag:$0x1] =	stream.indirect_vreg.gather [hbm4b:s10+s3], $0x80, v4, vm0, $0xb8;
	[tilespmem:$0x1E680] =	vst v63  }
0x213: {  	s26 =	simm.s32 $0x4680;
	v3 =	vadd.s32 v1, v3  }
0x214: {  	[tilespmem:s26], [sflag:$0x1] =	stream.indirect_vreg.gather [hbm4b:s11+s3], $0x80, v4, vm0, $0xb8;
	[tilespmem:$0x1E680] =	vst v63  }
0x215: {  	s28 =	simm.s32 $0x4E80  }
0x216: {  	[tilespmem:s28], [sflag:$0x1] =	stream.indirect_vreg.gather [hbm4b:s12+s3], $0x80, v4, vm0, $0xb8;
	[tilespmem:$0x1E680] =	vst v63  }
0x217: {  	s29 =	simm.s32 $0x5680  }
0x218: {  	[tilespmem:s29], [sflag:$0x1] =	stream.indirect_vreg.gather [hbm4b:s1+s3], $0x80, v3, vm0, $0xb8;
	[tilespmem:$0x1E680] =	vst v63  }
0x219: {  	s19 =	simm.s32 $0x5E80  }
0x21a: {  	[tilespmem:s19], [sflag:$0x1] =	stream.indirect_vreg.gather [hbm4b:s4+s3], $0x80, v3, vm0, $0xb8;
	[tilespmem:$0x1E680] =	vst v63  }
0x21b: {  	s24 =	simm.s32 $0x6680  }
0x21c: {  	[tilespmem:s24], [sflag:$0x1] =	stream.indirect_vreg.gather [hbm4b:s5+s3], $0x80, v3, vm0, $0xb8;
	[tilespmem:$0x1E680] =	vst v63  }
0x21d: {  	s25 =	simm.s32 $0x6E80  }
0x21e: {  	[tilespmem:s25], [sflag:$0x1] =	stream.indirect_vreg.gather [hbm4b:s6+s3], $0x80, v3, vm0, $0xb8;
	[tilespmem:$0x1E680] =	vst v63  }
0x21f: {  	s26 =	simm.s32 $0x7680  }
0x220: {  	[tilespmem:s26], [sflag:$0x1] =	stream.indirect_vreg.gather [hbm4b:s7+s3], $0x80, v3, vm0, $0xb8;
	[tilespmem:$0x1E680] =	vst v63  }
0x221: {  	s28 =	simm.s32 $0x7E80  }
0x222: {  	[tilespmem:s28], [sflag:$0x1] =	stream.indirect_vreg.gather [hbm4b:s8+s3], $0x80, v3, vm0, $0xb8;
	[tilespmem:$0x1E680] =	vst v63  }
0x223: {  	s29 =	simm.s32 $0x8680  }
0x224: {  	[tilespmem:s29], [sflag:$0x1] =	stream.indirect_vreg.gather [hbm4b:s9+s3], $0x80, v3, vm0, $0xb8;
	[tilespmem:$0x1E680] =	vst v63  }
0x225: {  	s30 =	simm.s32 $0x8E80  }
0x226: {  	[tilespmem:s30], [sflag:$0x1] =	stream.indirect_vreg.gather [hbm4b:s10+s3], $0x80, v3, vm0, $0xb8;
	[tilespmem:$0x1E680] =	vst v63  }
0x227: {  	s19 =	simm.s32 $0x9680  }
0x228: {  	[tilespmem:s19], [sflag:$0x1] =	stream.indirect_vreg.gather [hbm4b:s11+s3], $0x80, v3, vm0, $0xb8;
	[tilespmem:$0x1E680] =	vst v63  }
0x229: {  	s24 =	simm.s32 $0x9E80  }
0x22a: {  	[tilespmem:s24], [sflag:$0x1] =	stream.indirect_vreg.gather [hbm4b:s12+s3], $0x80, v3, vm0, $0xb8;
	[tilespmem:$0x1E680] =	vst v63  }
0x22b: {  	_ =	swait.ge [sflag:s0], $0xA000  }
0x22c: {  	[sflag:s0] =	ssyncset.done $0x0  }
0x22d: {  	s25 =	rddreg [dreg:$0xd];
	[sflag:s0] =	ssyncadd.s32 $0xFFFF6000  }
0x22e: {  	[hbm4b:s25+s21] =	stream.strided.scatter [tilespmem:s15], [sflag:$0x6], $0xA000, s22, s21, $0x38;
	[tilespmem:$0x1E680] =	vst v63  }
0x22f: {  	_ =	swait.ge [sflag:s14], $0xA000  }
0x230: {  	[sflag:s14] =	ssyncset.done $0x0  }
0x231: {  	[sflag:s14] =	ssyncadd.s32 $0xFFFF6000  }
0x232: {  	v3 =	vld [tilespmem:$0x580];
	_ =	sdelay $0x4  }
0x233: {  	v62 =	vshrl.u32 v3, $0x3  }
0x234: {  	v4 =	vmul.u32 $0xA0, v62  }
0x235: {  	v3 =	vand.u32 $0x7, v3  }
0x236: {  	v3 =	vor.u32 v3, v4  }
0x237: {  	v4 =	vperm.xlane v3, v0;
	_ =	sdelay $0x1  }
0x238: {  	v4 =	vadd.s32 v1, v4;
	_ =	sdelay $0x3  }
0x239: {  	s17 =	simm.s32 $0xA680  }
0x23a: {  	[tilespmem:s17], [sflag:$0x2] =	stream.indirect_vreg.gather [hbm4b:s1+s3], $0x80, v4, vm0, $0xb8;
	[tilespmem:$0x1E680] =	vst v63  }
0x23b: {  	s26 =	simm.s32 $0xAE80  }
0x23c: {  	[tilespmem:s26], [sflag:$0x2] =	stream.indirect_vreg.gather [hbm4b:s4+s3], $0x80, v4, vm0, $0xb8;
	[tilespmem:$0x1E680] =	vst v63  }
0x23d: {  	s28 =	simm.s32 $0xB680  }
0x23e: {  	[tilespmem:s28], [sflag:$0x2] =	stream.indirect_vreg.gather [hbm4b:s5+s3], $0x80, v4, vm0, $0xb8;
	[tilespmem:$0x1E680] =	vst v63  }
0x23f: {  	s29 =	simm.s32 $0xBE80  }
0x240: {  	[tilespmem:s29], [sflag:$0x2] =	stream.indirect_vreg.gather [hbm4b:s6+s3], $0x80, v4, vm0, $0xb8;
	[tilespmem:$0x1E680] =	vst v63  }
0x241: {  	s30 =	simm.s32 $0xC680  }
0x242: {  	[tilespmem:s30], [sflag:$0x2] =	stream.indirect_vreg.gather [hbm4b:s7+s3], $0x80, v4, vm0, $0xb8;
	[tilespmem:$0x1E680] =	vst v63  }
0x243: {  	s19 =	simm.s32 $0xCE80  }
0x244: {  	[tilespmem:s19], [sflag:$0x2] =	stream.indirect_vreg.gather [hbm4b:s8+s3], $0x80, v4, vm0, $0xb8;
	[tilespmem:$0x1E680] =	vst v63  }
0x245: {  	s24 =	simm.s32 $0xD680  }
0x246: {  	[tilespmem:s24], [sflag:$0x2] =	stream.indirect_vreg.gather [hbm4b:s9+s3], $0x80, v4, vm0, $0xb8;
	[tilespmem:$0x1E680] =	vst v63  }
0x247: {  	s25 =	simm.s32 $0xDE80;
	v3 =	vperm.xlane v3, v2  }
0x248: {  	[tilespmem:s25], [sflag:$0x2] =	stream.indirect_vreg.gather [hbm4b:s10+s3], $0x80, v4, vm0, $0xb8;
	[tilespmem:$0x1E680] =	vst v63  }
0x249: {  	v3 =	vadd.s32 v1, v3;
	s26 =	simm.s32 $0xE680  }
0x24a: {  	[tilespmem:s26], [sflag:$0x2] =	stream.indirect_vreg.gather [hbm4b:s11+s3], $0x80, v4, vm0, $0xb8;
	[tilespmem:$0x1E680] =	vst v63  }
0x24b: {  	s28 =	simm.s32 $0xEE80  }
0x24c: {  	[tilespmem:s28], [sflag:$0x2] =	stream.indirect_vreg.gather [hbm4b:s12+s3], $0x80, v4, vm0, $0xb8;
	[tilespmem:$0x1E680] =	vst v63  }
0x24d: {  	s29 =	simm.s32 $0xF680  }
0x24e: {  	[tilespmem:s29], [sflag:$0x2] =	stream.indirect_vreg.gather [hbm4b:s1+s3], $0x80, v3, vm0, $0xb8;
	[tilespmem:$0x1E680] =	vst v63  }
0x24f: {  	s30 =	simm.s32 $0xFE80  }
0x250: {  	[tilespmem:s30], [sflag:$0x2] =	stream.indirect_vreg.gather [hbm4b:s4+s3], $0x80, v3, vm0, $0xb8;
	[tilespmem:$0x1E680] =	vst v63  }
0x251: {  	s19 =	simm.s32 $0x10680  }
0x252: {  	[tilespmem:s19], [sflag:$0x2] =	stream.indirect_vreg.gather [hbm4b:s5+s3], $0x80, v3, vm0, $0xb8;
	[tilespmem:$0x1E680] =	vst v63  }
0x253: {  	s24 =	simm.s32 $0x10E80  }
0x254: {  	[tilespmem:s24], [sflag:$0x2] =	stream.indirect_vreg.gather [hbm4b:s6+s3], $0x80, v3, vm0, $0xb8;
	[tilespmem:$0x1E680] =	vst v63  }
0x255: {  	s25 =	simm.s32 $0x11680  }
0x256: {  	[tilespmem:s25], [sflag:$0x2] =	stream.indirect_vreg.gather [hbm4b:s7+s3], $0x80, v3, vm0, $0xb8;
	[tilespmem:$0x1E680] =	vst v63  }
0x257: {  	s26 =	simm.s32 $0x11E80  }
0x258: {  	[tilespmem:s26], [sflag:$0x2] =	stream.indirect_vreg.gather [hbm4b:s8+s3], $0x80, v3, vm0, $0xb8;
	[tilespmem:$0x1E680] =	vst v63  }
0x259: {  	s28 =	simm.s32 $0x12680  }
0x25a: {  	[tilespmem:s28], [sflag:$0x2] =	stream.indirect_vreg.gather [hbm4b:s9+s3], $0x80, v3, vm0, $0xb8;
	[tilespmem:$0x1E680] =	vst v63  }
0x25b: {  	s29 =	simm.s32 $0x12E80  }
0x25c: {  	[tilespmem:s29], [sflag:$0x2] =	stream.indirect_vreg.gather [hbm4b:s10+s3], $0x80, v3, vm0, $0xb8;
	[tilespmem:$0x1E680] =	vst v63  }
0x25d: {  	s30 =	simm.s32 $0x13680  }
0x25e: {  	[tilespmem:s30], [sflag:$0x2] =	stream.indirect_vreg.gather [hbm4b:s11+s3], $0x80, v3, vm0, $0xb8;
	[tilespmem:$0x1E680] =	vst v63  }
0x25f: {  	s19 =	simm.s32 $0x13E80  }
0x260: {  	[tilespmem:s19], [sflag:$0x2] =	stream.indirect_vreg.gather [hbm4b:s12+s3], $0x80, v3, vm0, $0xb8;
	[tilespmem:$0x1E680] =	vst v63  }
0x261: {  	_ =	swait.ge [sflag:s23], $0xA000  }
0x262: {  	[sflag:s23] =	ssyncset.done $0x0  }
0x263: {  	s24 =	rddreg [dreg:$0xe];
	[sflag:s23] =	ssyncadd.s32 $0xFFFF6000  }
0x264: {  	[hbm4b:s24+s21] =	stream.strided.scatter [tilespmem:s20], [sflag:$0x4], $0xA000, s22, s21, $0x38;
	[tilespmem:$0x1E680] =	vst v63  }
0x265: {  	_ =	swait.ge [sflag:s16], $0xA000  }
0x266: {  	[sflag:s16] =	ssyncset.done $0x0  }
0x267: {  	[sflag:s16] =	ssyncadd.s32 $0xFFFF6000  }
0x268: {  	v3 =	vld [tilespmem:$0x600];
	_ =	sdelay $0x4  }
0x269: {  	v63 =	vshrl.u32 v3, $0x3  }
0x26a: {  	v4 =	vmul.u32 $0xA0, v63  }
0x26b: {  	v3 =	vand.u32 $0x7, v3  }
0x26c: {  	v3 =	vor.u32 v3, v4  }
0x26d: {  	v4 =	vperm.xlane v3, v0;
	_ =	sdelay $0x1  }
0x26e: {  	v4 =	vadd.s32 v1, v4;
	_ =	sdelay $0x4  }
0x26f: {  	[tilespmem:s15], [sflag:$0x3] =	stream.indirect_vreg.gather [hbm4b:s1+s3], $0x80, v4, vm0, $0xb8;
	[tilespmem:$0x1E680] =	vst v63  }
0x270: {  	s25 =	simm.s32 $0x14E80  }
0x271: {  	[tilespmem:s25], [sflag:$0x3] =	stream.indirect_vreg.gather [hbm4b:s4+s3], $0x80, v4, vm0, $0xb8;
	[tilespmem:$0x1E680] =	vst v63  }
0x272: {  	s26 =	simm.s32 $0x15680  }
0x273: {  	[tilespmem:s26], [sflag:$0x3] =	stream.indirect_vreg.gather [hbm4b:s5+s3], $0x80, v4, vm0, $0xb8;
	[tilespmem:$0x1E680] =	vst v63  }
0x274: {  	s28 =	simm.s32 $0x15E80  }
0x275: {  	[tilespmem:s28], [sflag:$0x3] =	stream.indirect_vreg.gather [hbm4b:s6+s3], $0x80, v4, vm0, $0xb8;
	[tilespmem:$0x1E680] =	vst v63  }
0x276: {  	s29 =	simm.s32 $0x16680  }
0x277: {  	[tilespmem:s29], [sflag:$0x3] =	stream.indirect_vreg.gather [hbm4b:s7+s3], $0x80, v4, vm0, $0xb8;
	[tilespmem:$0x1E680] =	vst v63  }
0x278: {  	s30 =	simm.s32 $0x16E80  }
0x279: {  	[tilespmem:s30], [sflag:$0x3] =	stream.indirect_vreg.gather [hbm4b:s8+s3], $0x80, v4, vm0, $0xb8;
	[tilespmem:$0x1E680] =	vst v63  }
0x27a: {  	s19 =	simm.s32 $0x17680  }
0x27b: {  	[tilespmem:s19], [sflag:$0x3] =	stream.indirect_vreg.gather [hbm4b:s9+s3], $0x80, v4, vm0, $0xb8;
	[tilespmem:$0x1E680] =	vst v63  }
0x27c: {  	s20 =	simm.s32 $0x17E80;
	v3 =	vperm.xlane v3, v2  }
0x27d: {  	[tilespmem:s20], [sflag:$0x3] =	stream.indirect_vreg.gather [hbm4b:s10+s3], $0x80, v4, vm0, $0xb8;
	[tilespmem:$0x1E680] =	vst v63  }
0x27e: {  	s24 =	simm.s32 $0x18680;
	v3 =	vadd.s32 v1, v3  }
0x27f: {  	[tilespmem:s24], [sflag:$0x3] =	stream.indirect_vreg.gather [hbm4b:s11+s3], $0x80, v4, vm0, $0xb8;
	[tilespmem:$0x1E680] =	vst v63  }
0x280: {  	s25 =	simm.s32 $0x18E80  }
0x281: {  	[tilespmem:s25], [sflag:$0x3] =	stream.indirect_vreg.gather [hbm4b:s12+s3], $0x80, v4, vm0, $0xb8;
	[tilespmem:$0x1E680] =	vst v63  }
0x282: {  	s26 =	simm.s32 $0x19680  }
0x283: {  	[tilespmem:s26], [sflag:$0x3] =	stream.indirect_vreg.gather [hbm4b:s1+s3], $0x80, v3, vm0, $0xb8;
	[tilespmem:$0x1E680] =	vst v63  }
0x284: {  	s28 =	simm.s32 $0x19E80  }
0x285: {  	[tilespmem:s28], [sflag:$0x3] =	stream.indirect_vreg.gather [hbm4b:s4+s3], $0x80, v3, vm0, $0xb8;
	[tilespmem:$0x1E680] =	vst v63  }
0x286: {  	s29 =	simm.s32 $0x1A680  }
0x287: {  	[tilespmem:s29], [sflag:$0x3] =	stream.indirect_vreg.gather [hbm4b:s5+s3], $0x80, v3, vm0, $0xb8;
	[tilespmem:$0x1E680] =	vst v63  }
0x288: {  	s30 =	simm.s32 $0x1AE80  }
0x289: {  	[tilespmem:s30], [sflag:$0x3] =	stream.indirect_vreg.gather [hbm4b:s6+s3], $0x80, v3, vm0, $0xb8;
	[tilespmem:$0x1E680] =	vst v63  }
0x28a: {  	s19 =	simm.s32 $0x1B680  }
0x28b: {  	[tilespmem:s19], [sflag:$0x3] =	stream.indirect_vreg.gather [hbm4b:s7+s3], $0x80, v3, vm0, $0xb8;
	[tilespmem:$0x1E680] =	vst v63  }
0x28c: {  	s20 =	simm.s32 $0x1BE80  }
0x28d: {  	[tilespmem:s20], [sflag:$0x3] =	stream.indirect_vreg.gather [hbm4b:s8+s3], $0x80, v3, vm0, $0xb8;
	[tilespmem:$0x1E680] =	vst v63  }
0x28e: {  	s24 =	simm.s32 $0x1C680  }
0x28f: {  	[tilespmem:s24], [sflag:$0x3] =	stream.indirect_vreg.gather [hbm4b:s9+s3], $0x80, v3, vm0, $0xb8;
	[tilespmem:$0x1E680] =	vst v63  }
0x290: {  	s25 =	simm.s32 $0x1CE80  }
0x291: {  	[tilespmem:s25], [sflag:$0x3] =	stream.indirect_vreg.gather [hbm4b:s10+s3], $0x80, v3, vm0, $0xb8;
	[tilespmem:$0x1E680] =	vst v63  }
0x292: {  	s26 =	simm.s32 $0x1D680  }
0x293: {  	[tilespmem:s26], [sflag:$0x3] =	stream.indirect_vreg.gather [hbm4b:s11+s3], $0x80, v3, vm0, $0xb8;
	[tilespmem:$0x1E680] =	vst v63  }
0x294: {  	s28 =	simm.s32 $0x1DE80  }
0x295: {  	[tilespmem:s28], [sflag:$0x3] =	stream.indirect_vreg.gather [hbm4b:s12+s3], $0x80, v3, vm0, $0xb8;
	[tilespmem:$0x1E680] =	vst v63  }
0x296: {  	_ =	swait.ge [sflag:s31], $0xA000  }
0x297: {  	[sflag:s31] =	ssyncset.done $0x0  }
0x298: {  	s29 =	rddreg [dreg:$0xf];
	[sflag:s31] =	ssyncadd.s32 $0xFFFF6000  }
0x299: {  	[hbm4b:s29+s21] =	stream.strided.scatter [tilespmem:s17], [sflag:$0x5], $0xA000, s22, s21, $0x38;
	[tilespmem:$0x1E680] =	vst v63  }
0x29a: {  	_ =	swait.ge [sflag:s0], $0xA000  }
0x29b: {  	[sflag:s0] =	ssyncset.done $0x0  }
0x29c: {  	s30 =	rddreg [dreg:$0x10];
	[sflag:s0] =	ssyncadd.s32 $0xFFFF6000  }
0x29d: {  	[hbm4b:s30+s21] =	stream.strided.scatter [tilespmem:s15], [sflag:$0x6], $0xA000, s22, s21, $0x38;
	[tilespmem:$0x1E680] =	vst v63  }
0x29e: {  	_ =	swait.ge [sflag:s2], $0xA000  }
0x29f: {  	[sflag:s2] =	ssyncset.done $0x0  }
0x2a0: {  	[sflag:s2] =	ssyncadd.s32 $0xFFFF6000  }
0x2a1: {  	p0 =	sne.s32 s13, $0x1;
	_ =	swait.ge [sflag:s14], $0xA000  }
.Ltmp0:
0x2a2: {  	[sflag:s14] =	ssyncset.done $0x0;
	(pc) =	sbr.rel @p0 .LBB2_1-.Ltmp0, $4  }
0x2a3: {  	[sflag:s14] =	ssyncadd.s32 $0xFFFF6000  }
0x2a4: {  	_ =	swait.ge [sflag:s16], $0xA000  }
0x2a5: {  	[sflag:s16] =	ssyncset.done $0x0  }
0x2a6: {  	s13 =	sadd.s32 $0xFFFFFFFF, s13;
	[sflag:s16] =	ssyncadd.s32 $0xFFFF6000  }
0x2a7: {  	_ =	sfence.sel $0x180000  }
0x2a8: {  	[bflag:$0x0] =	sbarrier.arrive $0xFFFF  }
0x2a9: {  	_ =	strace $0x90000047  }
0x2aa: {  	s0 =	stileid.u32;
	[bflag:$0x2] =	sbarrier.arrive $0xFFFF  }
0x2ab: {  	p0 =	sne.s32 s0, $0x0;
	s0 =	rddreg [dreg:$0x3]  }
0x2ac: {  	s0 =	sadd.s32 @!p0 $0x100000, s0  }
0x2ad: {  	[sflag:s0] =	ssyncadd.tile.s32 @!p0 $0x1;
	_ =	shalt  }
.Lfunc_end2:
_tile_overlayer_lowered:
.L_overlay_start_2:
0x2ae: {  	(tag) =	ssettag $0x2  }
0x2af: {  	s0 =	rddreg [dreg:$0x0];
	s2 =	stileid.u32  }
0x2b0: {  	s1 =	rddreg [dreg:$0x1];
	p0 =	sne.s32 s2, $0x0  }
0x2b1: {  	s3 =	rddreg [dreg:$0x2];
	[bflag:$0x3] =	sbarrier.arrive $0xFFFF;
	s2 =	simm.s32 @!p0 $0x1C07  }
0x2b2: {  	[timem:s3], [sflag:s2] =	dma.local @!p0 [hbm:s0], s1  }
0x2b3: {  	s0 =	simm.s32 @!p0 $0x7  }
0x2b4: {  	_ =	swait.ge @!p0 [sflag:s0], s1  }
0x2b5: {  	s1 =	ssub.s32 @!p0 $0x0, s1;
	[sflag:s0] =	ssyncset.done @!p0 $0x0  }
0x2b6: {  	[sflag:s0] =	ssyncadd.s32 @!p0 s1  }
0x2b7: {  	[bflag:$0x3] =	sbarrier.arrive $0xFFFF  }
0x2b8: {  	_ =	shalt  }

</sc_bundles>
